<compile_context>
chip_gen: v7x
topology: tpu7x:2x2x1
jax: 0.10.2.dev20260603
libtpu: 0.0.44.dev20260713+nightly
codegen_flags: <defaults>
</compile_context>

<pallas_src>
import functools
import jax
import jax.numpy as jnp
from jax import lax
from jax.experimental import pallas as pl
from jax.experimental.pallas import tpu as pltpu
from jax.experimental.pallas import tpu_sc as plsc

D = 128
NBIN = 65
NCBIN = 5
NTAB = NBIN * NCBIN
NC, NS, LN = 2, 16, 16
NW = NC * NS


def kernel(idx, chain_idx, emb_weight, emb_chain_weight):
    B, L = idx.shape
    rows = B * L * L
    pairs = B * L
    ppw = pairs // NW
    RPT = -(-NTAB // NS)
    CH = 128
    NCHUNK = L // CH

    mesh = plsc.VectorSubcoreMesh(
        core_axis_name="c", subcore_axis_name="s", num_cores=NC, num_subcores=NS
    )

    @functools.partial(
        pl.kernel,
        out_type=jax.ShapeDtypeStruct((rows, D), jnp.float32),
        mesh=mesh,
        compiler_params=pltpu.CompilerParams(needs_layout_passes=False),
        scratch_types=dict(
            idx_v=pltpu.VMEM((L,), jnp.int32),
            ch_v=pltpu.VMEM((L,), jnp.int32),
            cid_v=pltpu.VMEM((NCHUNK, CH), jnp.int32),
            buf_a=pltpu.VMEM((2 * CH, D), jnp.float32),
            buf_b=pltpu.VMEM((2 * CH, D), jnp.float32),
            emb_v=pltpu.VMEM((NBIN * D,), jnp.float32),
            cemb_v=pltpu.VMEM((NCBIN * D,), jnp.float32),
            tab_v=pltpu.VMEM((RPT, D), jnp.float32),
            tab_s=pltpu.VMEM_SHARED((NS * RPT, D), jnp.float32),
            gsem=pltpu.SemaphoreType.DMA,
            wsem_a=pltpu.SemaphoreType.DMA,
            wsem_b=pltpu.SemaphoreType.DMA,
        ),
    )
    def run(idx_h, ch_h, emb_h, cemb_h, out_h,
            idx_v, ch_v, cid_v, buf_a, buf_b, emb_v, cemb_v, tab_v, tab_s,
            gsem, wsem_a, wsem_b):
        c = lax.axis_index("c")
        s = lax.axis_index("s")
        wid = s * NC + c

        b = wid // (NW // B)
        i0 = (wid * ppw) % L
        pltpu.sync_copy(idx_h.at[b], idx_v)
        pltpu.sync_copy(ch_h.at[b], ch_v)
        pltpu.sync_copy(emb_h, emb_v)
        pltpu.sync_copy(cemb_h, cemb_v)

        m0 = s * RPT

        def build_k(k, carry):
            m = jnp.minimum(m0 + k, NTAB - 1)
            a = m // NCBIN
            cc = m % NCBIN
            for u in range(D // LN):
                e = emb_v[pl.ds(a * D + u * LN, LN)]
                ch = cemb_v[pl.ds(cc * D + u * LN, LN)]
                tab_v[k, pl.ds(u * LN, LN)] = e + ch
            return carry

        lax.fori_loop(0, RPT, build_k, 0)
        pltpu.sync_copy(tab_v, tab_s.at[pl.ds(m0, RPT)])
        plsc.subcore_barrier()

        def pair_body(p, carry):
            i = i0 + p
            fi = jnp.full((LN,), i, jnp.int32)
            si = plsc.load_gather(idx_v, [fi])
            ci = plsc.load_gather(ch_v, [fi])
            for ck in range(NCHUNK):
                for u in range(CH // LN):
                    j0 = ck * CH + u * LN
                    dj = idx_v[pl.ds(j0, LN)]
                    cj = ch_v[pl.ds(j0, LN)]
                    ib = jnp.clip(dj - si + 32, 0, 64)
                    ic = jnp.clip(cj - ci + 2, 0, 4)
                    cid_v[ck, pl.ds(u * LN, LN)] = ib * NCBIN + ic
            row0 = pl.multiple_of((b * L + i) * L, L)
            HCH = 2 * CH

            @pl.when(p > 0)
            def _wait_a():
                pltpu.make_async_copy(buf_a, out_h.at[pl.ds(row0, HCH)],
                                      wsem_a).wait()

            ga0 = pltpu.async_copy(tab_s.at[cid_v.at[0]],
                                   buf_a.at[pl.ds(0, CH)], gsem)
            ga1 = pltpu.async_copy(tab_s.at[cid_v.at[1]],
                                   buf_a.at[pl.ds(CH, CH)], gsem)

            @pl.when(p > 0)
            def _wait_b():
                pltpu.make_async_copy(buf_b, out_h.at[pl.ds(row0, HCH)],
                                      wsem_b).wait()

            gb0 = pltpu.async_copy(tab_s.at[cid_v.at[2]],
                                   buf_b.at[pl.ds(0, CH)], gsem)
            gb1 = pltpu.async_copy(tab_s.at[cid_v.at[3]],
                                   buf_b.at[pl.ds(CH, CH)], gsem)
            ga0.wait()
            ga1.wait()
            pltpu.async_copy(buf_a, out_h.at[pl.ds(row0, HCH)], wsem_a)
            gb0.wait()
            gb1.wait()
            pltpu.async_copy(buf_b, out_h.at[pl.ds(row0 + HCH, HCH)], wsem_b)
            return carry

        lax.fori_loop(0, ppw, pair_body, 0)
        last0 = pl.multiple_of((b * L + i0 + ppw - 1) * L, L)
        pltpu.make_async_copy(buf_a, out_h.at[pl.ds(last0, 2 * CH)],
                              wsem_a).wait()
        pltpu.make_async_copy(buf_b, out_h.at[pl.ds(last0 + 2 * CH, 2 * CH)],
                              wsem_b).wait()

    out_flat = run(idx, chain_idx, emb_weight.reshape(-1),
                   emb_chain_weight.reshape(-1))
    return out_flat.reshape(B, L, L, D)

# --- scband reference (transcript-rebuilt; emitter-appended) ---
"""Pipeline reference for scband-positional-encoding2-d-85847806312720 (READ-ONLY COPY).

The authoritative reference and input builder live on the scoring server;
editing this copy changes nothing except your own understanding.
"""

import jax, jax.numpy as jnp
import numpy as np

D_MODEL = 128
MINPOS = -32
MAXPOS = 32
MINCHAIN = -2
MAXCHAIN = 2
NBIN = abs(MINPOS) + MAXPOS + 1   # 65
NCBIN = abs(MINCHAIN) + MAXCHAIN + 1  # 5
B, L = 2, 512


def setup_inputs(seed: int = 0) -> dict:
    key = jax.random.key(seed)
    k1, k2, k3 = jax.random.split(key, 3)
    # residue indices: sorted random ints per sequence (monotone residue numbering)
    idx = jnp.sort(jax.random.randint(k1, (B, L), 0, 1024, dtype=jnp.int32), axis=-1)
    # chain indices: small sorted ints (few chains per complex)
    chain_idx = jnp.sort(jax.random.randint(k2, (B, L), 0, 4, dtype=jnp.int32), axis=-1)
    # learned parameters: torch nn.Embedding default init is N(0,1); emb_chain is zero-initialized
    emb_weight = jax.random.normal(k3, (NBIN, D_MODEL), dtype=jnp.float32)
    emb_chain_weight = jnp.zeros((NCBIN, D_MODEL), dtype=jnp.float32)
    return {"idx": idx, "chain_idx": chain_idx, "emb_weight": emb_weight, "emb_chain_weight": emb_chain_weight}


def reference(idx, chain_idx, emb_weight, emb_chain_weight):
    # torch.bucketize(x, bins, right=False) == jnp.searchsorted(bins, x, side='left')
    bins = jnp.arange(MINPOS, MAXPOS)  # 64 boundaries -> bucket ids in [0, 64]
    seqsep = idx[:, None, :] - idx[:, :, None]  # [B, L, L]
    ib = jnp.searchsorted(bins, seqsep, side='left')
    emb = jnp.take(emb_weight, ib, axis=0)  # [B, L, L, D]
    bins2 = jnp.arange(MINCHAIN, MAXCHAIN)  # 4 boundaries -> bucket ids in [0, 4]
    chainsep = chain_idx[:, None, :] - chain_idx[:, :, None]
    ic = jnp.searchsorted(bins2, chainsep, side='left')
    emb_c = jnp.take(emb_chain_weight, ic, axis=0)
    return emb + emb_c

if __name__ == "__main__":
    import jax
    _d = setup_inputs()
    print(jax.jit(kernel)(*tuple(_d.values())))

</pallas_src>

<mosaic_0001>
#map = affine_map<(d0, d1) -> (0, 0)>
#map1 = affine_map<(d0, d1) -> (0)>
module attributes {stable_mosaic.version = 14 : i64} {
  func.func @run(%arg0: i32, %arg1: i32, %arg2: memref<2x512xi32, #tpu.memory_space<hbm>>, %arg3: memref<2x512xi32, #tpu.memory_space<hbm>>, %arg4: memref<8320xf32, #tpu.memory_space<hbm>>, %arg5: memref<640xf32, #tpu.memory_space<hbm>>, %arg6: memref<524288x128xf32, #tpu.memory_space<hbm>>, %arg7: memref<256x128xf32, #tpu.memory_space<vmem>>, %arg8: memref<256x128xf32, #tpu.memory_space<vmem>>, %arg9: memref<640xf32, #tpu.memory_space<vmem>>, %arg10: memref<512xi32, #tpu.memory_space<vmem>>, %arg11: memref<4x128xi32, #tpu.memory_space<vmem>>, %arg12: memref<8320xf32, #tpu.memory_space<vmem>>, %arg13: memref<!tpu.dma_semaphore, #tpu.memory_space<semaphore_mem>>, %arg14: memref<512xi32, #tpu.memory_space<vmem>>, %arg15: memref<336x128xf32, #tpu.memory_space<vmem_shared>>, %arg16: memref<21x128xf32, #tpu.memory_space<vmem>>, %arg17: memref<!tpu.dma_semaphore, #tpu.memory_space<semaphore_mem>>, %arg18: memref<!tpu.dma_semaphore, #tpu.memory_space<semaphore_mem>>) attributes {dimension_semantics = [#tpu.dimension_semantics<core_parallel>, #tpu.dimension_semantics<subcore_parallel>], iteration_bounds = array<i64: 2, 16>, scalar_prefetch = 0 : i64, scratch_operands = 12 : i64, tpu.core_type = #tpu.core_type<sc_vector_subcore>, window_params = [{transform_indices = #map}, {transform_indices = #map}, {transform_indices = #map1}, {transform_indices = #map1}, {transform_indices = #map}]} {
    %mul3A = arith.constant 2 : i32
    %mul3A_0 = arith.muli %arg1, %mul3A : i32
    %add3A = arith.addi %mul3A_0, %arg0 : i32
    %jit3A = arith.constant 16 : i32
    %div3A = arith.divsi %add3A, %jit3A : i32
    %sign3A = arith.constant 0 : i32
    %sign3A_1 = arith.cmpi sgt, %add3A, %sign3A : i32
    %sign3A_2 = arith.extui %sign3A_1 : i1 to i32
    %sign3A_3 = arith.constant 0 : i32
    %sign3A_4 = arith.cmpi slt, %add3A, %sign3A_3 : i32
    %sign3A_5 = arith.extui %sign3A_4 : i1 to i32
    %sign3A_6 = arith.subi %sign3A_2, %sign3A_5 : i32
    %sign3A_7 = arith.constant 0 : i32
    %sign3A_8 = arith.cmpi sgt, %jit3A, %sign3A_7 : i32
    %sign3A_9 = arith.extui %sign3A_8 : i1 to i32
    %sign3A_10 = arith.constant 0 : i32
    %sign3A_11 = arith.cmpi slt, %jit3A, %sign3A_10 : i32
    %sign3A_12 = arith.extui %sign3A_11 : i1 to i32
    %sign3A_13 = arith.subi %sign3A_9, %sign3A_12 : i32
    %ne3A = arith.cmpi ne, %sign3A_6, %sign3A_13 : i32
    %rem3A = arith.remsi %add3A, %jit3A : i32
    %ne3A_14 = arith.constant 0 : i32
    %ne3A_15 = arith.cmpi ne, %rem3A, %ne3A_14 : i32
    %and3A = arith.andi %ne3A, %ne3A_15 : i1
    %sub3A = arith.constant 1 : i32
    %sub3A_16 = arith.subi %div3A, %sub3A : i32
    %select_n3A = arith.select %and3A, %sub3A_16, %div3A : i32
    %mul3A_17 = arith.constant 32 : i32
    %mul3A_18 = arith.muli %add3A, %mul3A_17 : i32
    %jit3A_19 = arith.constant 512 : i32
    %eq3A = arith.constant 0 : i32
    %eq3A_20 = arith.cmpi eq, %jit3A_19, %eq3A : i32
    %jit3A_21 = arith.constant 1 : i32
    %select_n3A_22 = arith.select %eq3A_20, %jit3A_21, %jit3A_19 : i32
    %rem3A_23 = arith.remsi %mul3A_18, %select_n3A_22 : i32
    %ne3A_24 = arith.constant 0 : i32
    %ne3A_25 = arith.cmpi ne, %rem3A_23, %ne3A_24 : i32
    %lt3A = arith.constant 0 : i32
    %lt3A_26 = arith.cmpi slt, %rem3A_23, %lt3A : i32
    %lt3A_27 = arith.constant 0 : i32
    %lt3A_28 = arith.cmpi slt, %select_n3A_22, %lt3A_27 : i32
    %ne3A_29 = arith.xori %lt3A_26, %lt3A_28 : i1
    %and3A_30 = arith.andi %ne3A_29, %ne3A_25 : i1
    %add3A_31 = arith.addi %rem3A_23, %select_n3A_22 : i32
    %select_n3A_32 = arith.select %and3A_30, %add3A_31, %rem3A_23 : i32
    "tpu.region"() ({
      %run_scoped3A = tpu.sem_alloc : memref<!tpu.dma_semaphore, #tpu.memory_space<semaphore_mem>>
      %dma_start3A = arith.constant 0 : i32
      %dma_start3A_64 = tpu.memref_slice %arg2[%select_n3A, %dma_start3A] : memref<2x512xi32, #tpu.memory_space<hbm>> -> memref<1x512xi32, #tpu.memory_space<hbm>>
      %dma_start3A_65 = tpu.memref_squeeze %dma_start3A_64 : memref<1x512xi32, #tpu.memory_space<hbm>> -> memref<512xi32, #tpu.memory_space<hbm>>
      %dma_start3A_66 = arith.constant 0 : i32
      %dma_start3A_67 = tpu.memref_slice %arg2[%select_n3A, %dma_start3A_66] : memref<2x512xi32, #tpu.memory_space<hbm>> -> memref<1x512xi32, #tpu.memory_space<hbm>>
      %dma_start3A_68 = tpu.memref_squeeze %dma_start3A_67 : memref<1x512xi32, #tpu.memory_space<hbm>> -> memref<512xi32, #tpu.memory_space<hbm>>
      tpu.enqueue_dma source(%dma_start3A_68 : memref<512xi32, #tpu.memory_space<hbm>>) target(%arg14 : memref<512xi32, #tpu.memory_space<vmem>>) target_semaphore(%run_scoped3A : memref<!tpu.dma_semaphore, #tpu.memory_space<semaphore_mem>>)
      %dma_wait3A_69 = arith.constant 0 : i32
      %dma_wait3A_70 = tpu.memref_slice %arg2[%select_n3A, %dma_wait3A_69] : memref<2x512xi32, #tpu.memory_space<hbm>> -> memref<1x512xi32, #tpu.memory_space<hbm>>
      %dma_wait3A_71 = tpu.memref_squeeze %dma_wait3A_70 : memref<1x512xi32, #tpu.memory_space<hbm>> -> memref<512xi32, #tpu.memory_space<hbm>>
      %dma_wait3A_72 = arith.constant 0 : i32
      %dma_wait3A_73 = tpu.memref_slice %arg2[%select_n3A, %dma_wait3A_72] : memref<2x512xi32, #tpu.memory_space<hbm>> -> memref<1x512xi32, #tpu.memory_space<hbm>>
      %dma_wait3A_74 = tpu.memref_squeeze %dma_wait3A_73 : memref<1x512xi32, #tpu.memory_space<hbm>> -> memref<512xi32, #tpu.memory_space<hbm>>
      tpu.wait_dma2 semaphore(%run_scoped3A : memref<!tpu.dma_semaphore, #tpu.memory_space<semaphore_mem>>) src(%dma_wait3A_74 : memref<512xi32, #tpu.memory_space<hbm>>) dst(%arg14 : memref<512xi32, #tpu.memory_space<vmem>>)
      tpu.yield
    }) : () -> ()
    "tpu.region"() ({
      %run_scoped3A = tpu.sem_alloc : memref<!tpu.dma_semaphore, #tpu.memory_space<semaphore_mem>>
      %dma_start3A = arith.constant 0 : i32
      %dma_start3A_64 = tpu.memref_slice %arg3[%select_n3A, %dma_start3A] : memref<2x512xi32, #tpu.memory_space<hbm>> -> memref<1x512xi32, #tpu.memory_space<hbm>>
      %dma_start3A_65 = tpu.memref_squeeze %dma_start3A_64 : memref<1x512xi32, #tpu.memory_space<hbm>> -> memref<512xi32, #tpu.memory_space<hbm>>
      %dma_start3A_66 = arith.constant 0 : i32
      %dma_start3A_67 = tpu.memref_slice %arg3[%select_n3A, %dma_start3A_66] : memref<2x512xi32, #tpu.memory_space<hbm>> -> memref<1x512xi32, #tpu.memory_space<hbm>>
      %dma_start3A_68 = tpu.memref_squeeze %dma_start3A_67 : memref<1x512xi32, #tpu.memory_space<hbm>> -> memref<512xi32, #tpu.memory_space<hbm>>
      tpu.enqueue_dma source(%dma_start3A_68 : memref<512xi32, #tpu.memory_space<hbm>>) target(%arg10 : memref<512xi32, #tpu.memory_space<vmem>>) target_semaphore(%run_scoped3A : memref<!tpu.dma_semaphore, #tpu.memory_space<semaphore_mem>>)
      %dma_wait3A_69 = arith.constant 0 : i32
      %dma_wait3A_70 = tpu.memref_slice %arg3[%select_n3A, %dma_wait3A_69] : memref<2x512xi32, #tpu.memory_space<hbm>> -> memref<1x512xi32, #tpu.memory_space<hbm>>
      %dma_wait3A_71 = tpu.memref_squeeze %dma_wait3A_70 : memref<1x512xi32, #tpu.memory_space<hbm>> -> memref<512xi32, #tpu.memory_space<hbm>>
      %dma_wait3A_72 = arith.constant 0 : i32
      %dma_wait3A_73 = tpu.memref_slice %arg3[%select_n3A, %dma_wait3A_72] : memref<2x512xi32, #tpu.memory_space<hbm>> -> memref<1x512xi32, #tpu.memory_space<hbm>>
      %dma_wait3A_74 = tpu.memref_squeeze %dma_wait3A_73 : memref<1x512xi32, #tpu.memory_space<hbm>> -> memref<512xi32, #tpu.memory_space<hbm>>
      tpu.wait_dma2 semaphore(%run_scoped3A : memref<!tpu.dma_semaphore, #tpu.memory_space<semaphore_mem>>) src(%dma_wait3A_74 : memref<512xi32, #tpu.memory_space<hbm>>) dst(%arg10 : memref<512xi32, #tpu.memory_space<vmem>>)
      tpu.yield
    }) : () -> ()
    "tpu.region"() ({
      %run_scoped3A = tpu.sem_alloc : memref<!tpu.dma_semaphore, #tpu.memory_space<semaphore_mem>>
      tpu.enqueue_dma source(%arg4 : memref<8320xf32, #tpu.memory_space<hbm>>) target(%arg12 : memref<8320xf32, #tpu.memory_space<vmem>>) target_semaphore(%run_scoped3A : memref<!tpu.dma_semaphore, #tpu.memory_space<semaphore_mem>>)
      tpu.wait_dma2 semaphore(%run_scoped3A : memref<!tpu.dma_semaphore, #tpu.memory_space<semaphore_mem>>) src(%arg4 : memref<8320xf32, #tpu.memory_space<hbm>>) dst(%arg12 : memref<8320xf32, #tpu.memory_space<vmem>>)
      tpu.yield
    }) : () -> ()
    "tpu.region"() ({
      %run_scoped3A = tpu.sem_alloc : memref<!tpu.dma_semaphore, #tpu.memory_space<semaphore_mem>>
      tpu.enqueue_dma source(%arg5 : memref<640xf32, #tpu.memory_space<hbm>>) target(%arg9 : memref<640xf32, #tpu.memory_space<vmem>>) target_semaphore(%run_scoped3A : memref<!tpu.dma_semaphore, #tpu.memory_space<semaphore_mem>>)
      tpu.wait_dma2 semaphore(%run_scoped3A : memref<!tpu.dma_semaphore, #tpu.memory_space<semaphore_mem>>) src(%arg5 : memref<640xf32, #tpu.memory_space<hbm>>) dst(%arg9 : memref<640xf32, #tpu.memory_space<vmem>>)
      tpu.yield
    }) : () -> ()
    %mul3A_33 = arith.constant 21 : i32
    %mul3A_34 = arith.muli %arg1, %mul3A_33 : i32
    %scan3A = arith.constant 0 : i32
    %scan3A_35 = arith.constant 0 : i32
    %scan3A_36 = arith.constant 21 : i32
    %scan3A_37 = arith.addi %scan3A_35, %scan3A_36 : i32
    %scan3A_38 = arith.constant 1 : i32
    scf.for %scan3A_64 = %scan3A_35 to %scan3A_37 step %scan3A_38  : i32 {
      %add3A_65 = arith.addi %mul3A_34, %scan3A_64 : i32
      %min3A = arith.constant 324 : i32
      %min3A_66 = arith.minsi %add3A_65, %min3A : i32
      %jit3A_67 = arith.constant 5 : i32
      %div3A_68 = arith.divsi %min3A_66, %jit3A_67 : i32
      %sign3A_69 = arith.constant 0 : i32
      %sign3A_70 = arith.cmpi sgt, %min3A_66, %sign3A_69 : i32
      %sign3A_71 = arith.extui %sign3A_70 : i1 to i32
      %sign3A_72 = arith.constant 0 : i32
      %sign3A_73 = arith.cmpi slt, %min3A_66, %sign3A_72 : i32
      %sign3A_74 = arith.extui %sign3A_73 : i1 to i32
      %sign3A_75 = arith.subi %sign3A_71, %sign3A_74 : i32
      %sign3A_76 = arith.constant 0 : i32
      %sign3A_77 = arith.cmpi sgt, %jit3A_67, %sign3A_76 : i32
      %sign3A_78 = arith.extui %sign3A_77 : i1 to i32
      %sign3A_79 = arith.constant 0 : i32
      %sign3A_80 = arith.cmpi slt, %jit3A_67, %sign3A_79 : i32
      %sign3A_81 = arith.extui %sign3A_80 : i1 to i32
      %sign3A_82 = arith.subi %sign3A_78, %sign3A_81 : i32
      %ne3A_83 = arith.cmpi ne, %sign3A_75, %sign3A_82 : i32
      %rem3A_84 = arith.remsi %min3A_66, %jit3A_67 : i32
      %ne3A_85 = arith.constant 0 : i32
      %ne3A_86 = arith.cmpi ne, %rem3A_84, %ne3A_85 : i32
      %and3A_87 = arith.andi %ne3A_83, %ne3A_86 : i1
      %sub3A_88 = arith.constant 1 : i32
      %sub3A_89 = arith.subi %div3A_68, %sub3A_88 : i32
      %select_n3A_90 = arith.select %and3A_87, %sub3A_89, %div3A_68 : i32
      %jit3A_91 = arith.constant 5 : i32
      %eq3A_92 = arith.constant 0 : i32
      %eq3A_93 = arith.cmpi eq, %jit3A_91, %eq3A_92 : i32
      %jit3A_94 = arith.constant 1 : i32
      %select_n3A_95 = arith.select %eq3A_93, %jit3A_94, %jit3A_91 : i32
      %rem3A_96 = arith.remsi %min3A_66, %select_n3A_95 : i32
      %ne3A_97 = arith.constant 0 : i32
      %ne3A_98 = arith.cmpi ne, %rem3A_96, %ne3A_97 : i32
      %lt3A_99 = arith.constant 0 : i32
      %lt3A_100 = arith.cmpi slt, %rem3A_96, %lt3A_99 : i32
      %lt3A_101 = arith.constant 0 : i32
      %lt3A_102 = arith.cmpi slt, %select_n3A_95, %lt3A_101 : i32
      %ne3A_103 = arith.xori %lt3A_100, %lt3A_102 : i1
      %and3A_104 = arith.andi %ne3A_103, %ne3A_98 : i1
      %add3A_105 = arith.addi %rem3A_96, %select_n3A_95 : i32
      %select_n3A_106 = arith.select %and3A_104, %add3A_105, %rem3A_96 : i32
      %mul3A_107 = arith.constant 128 : i32
      %mul3A_108 = arith.muli %select_n3A_90, %mul3A_107 : i32
      %add3A_109 = arith.constant 0 : i32
      %add3A_110 = arith.addi %mul3A_108, %add3A_109 : i32
      %get3A = arith.index_cast %add3A_110 : i32 to index
      %get3A_111 = tpu.vector_load %arg12[%get3A] {strides = array<i32>} : memref<8320xf32, #tpu.memory_space<vmem>>, vector<16xf32>,
      %mul3A_112 = arith.constant 128 : i32
      %mul3A_113 = arith.muli %select_n3A_106, %mul3A_112 : i32
      %add3A_114 = arith.constant 0 : i32
      %add3A_115 = arith.addi %mul3A_113, %add3A_114 : i32
      %get3A_116 = arith.index_cast %add3A_115 : i32 to index
      %get3A_117 = tpu.vector_load %arg9[%get3A_116] {strides = array<i32>} : memref<640xf32, #tpu.memory_space<vmem>>, vector<16xf32>,
      %add3A_118 = arith.addf %get3A_111, %get3A_117 : vector<16xf32>
      %swap3A = arith.index_cast %scan3A_64 : i32 to index
      %swap3A_119 = arith.constant 0 : index
      %swap3A_120 = tpu.vector_load %arg16[%swap3A, %swap3A_119] {strides = array<i32>} : memref<21x128xf32, #tpu.memory_space<vmem>>, vector<16xf32>,
      tpu.vector_store %arg16[%swap3A, %swap3A_119], %add3A_118 {strides = array<i32>} : memref<21x128xf32, #tpu.memory_space<vmem>>, vector<16xf32>,
      %mul3A_121 = arith.constant 128 : i32
      %mul3A_122 = arith.muli %select_n3A_90, %mul3A_121 : i32
      %add3A_123 = arith.constant 16 : i32
      %add3A_124 = arith.addi %mul3A_122, %add3A_123 : i32
      %get3A_125 = arith.index_cast %add3A_124 : i32 to index
      %get3A_126 = tpu.vector_load %arg12[%get3A_125] {strides = array<i32>} : memref<8320xf32, #tpu.memory_space<vmem>>, vector<16xf32>,
      %mul3A_127 = arith.constant 128 : i32
      %mul3A_128 = arith.muli %select_n3A_106, %mul3A_127 : i32
      %add3A_129 = arith.constant 16 : i32
      %add3A_130 = arith.addi %mul3A_128, %add3A_129 : i32
      %get3A_131 = arith.index_cast %add3A_130 : i32 to index
      %get3A_132 = tpu.vector_load %arg9[%get3A_131] {strides = array<i32>} : memref<640xf32, #tpu.memory_space<vmem>>, vector<16xf32>,
      %add3A_133 = arith.addf %get3A_126, %get3A_132 : vector<16xf32>
      %swap3A_134 = arith.index_cast %scan3A_64 : i32 to index
      %swap3A_135 = arith.constant 16 : index
      %swap3A_136 = tpu.vector_load %arg16[%swap3A_134, %swap3A_135] {strides = array<i32>} : memref<21x128xf32, #tpu.memory_space<vmem>>, vector<16xf32>,
      tpu.vector_store %arg16[%swap3A_134, %swap3A_135], %add3A_133 {strides = array<i32>} : memref<21x128xf32, #tpu.memory_space<vmem>>, vector<16xf32>,
      %mul3A_137 = arith.constant 128 : i32
      %mul3A_138 = arith.muli %select_n3A_90, %mul3A_137 : i32
      %add3A_139 = arith.constant 32 : i32
      %add3A_140 = arith.addi %mul3A_138, %add3A_139 : i32
      %get3A_141 = arith.index_cast %add3A_140 : i32 to index
      %get3A_142 = tpu.vector_load %arg12[%get3A_141] {strides = array<i32>} : memref<8320xf32, #tpu.memory_space<vmem>>, vector<16xf32>,
      %mul3A_143 = arith.constant 128 : i32
      %mul3A_144 = arith.muli %select_n3A_106, %mul3A_143 : i32
      %add3A_145 = arith.constant 32 : i32
      %add3A_146 = arith.addi %mul3A_144, %add3A_145 : i32
      %get3A_147 = arith.index_cast %add3A_146 : i32 to index
      %get3A_148 = tpu.vector_load %arg9[%get3A_147] {strides = array<i32>} : memref<640xf32, #tpu.memory_space<vmem>>, vector<16xf32>,
      %add3A_149 = arith.addf %get3A_142, %get3A_148 : vector<16xf32>
      %swap3A_150 = arith.index_cast %scan3A_64 : i32 to index
      %swap3A_151 = arith.constant 32 : index
      %swap3A_152 = tpu.vector_load %arg16[%swap3A_150, %swap3A_151] {strides = array<i32>} : memref<21x128xf32, #tpu.memory_space<vmem>>, vector<16xf32>,
      tpu.vector_store %arg16[%swap3A_150, %swap3A_151], %add3A_149 {strides = array<i32>} : memref<21x128xf32, #tpu.memory_space<vmem>>, vector<16xf32>,
      %mul3A_153 = arith.constant 128 : i32
      %mul3A_154 = arith.muli %select_n3A_90, %mul3A_153 : i32
      %add3A_155 = arith.constant 48 : i32
      %add3A_156 = arith.addi %mul3A_154, %add3A_155 : i32
      %get3A_157 = arith.index_cast %add3A_156 : i32 to index
      %get3A_158 = tpu.vector_load %arg12[%get3A_157] {strides = array<i32>} : memref<8320xf32, #tpu.memory_space<vmem>>, vector<16xf32>,
      %mul3A_159 = arith.constant 128 : i32
      %mul3A_160 = arith.muli %select_n3A_106, %mul3A_159 : i32
      %add3A_161 = arith.constant 48 : i32
      %add3A_162 = arith.addi %mul3A_160, %add3A_161 : i32
      %get3A_163 = arith.index_cast %add3A_162 : i32 to index
      %get3A_164 = tpu.vector_load %arg9[%get3A_163] {strides = array<i32>} : memref<640xf32, #tpu.memory_space<vmem>>, vector<16xf32>,
      %add3A_165 = arith.addf %get3A_158, %get3A_164 : vector<16xf32>
      %swap3A_166 = arith.index_cast %scan3A_64 : i32 to index
      %swap3A_167 = arith.constant 48 : index
      %swap3A_168 = tpu.vector_load %arg16[%swap3A_166, %swap3A_167] {strides = array<i32>} : memref<21x128xf32, #tpu.memory_space<vmem>>, vector<16xf32>,
      tpu.vector_store %arg16[%swap3A_166, %swap3A_167], %add3A_165 {strides = array<i32>} : memref<21x128xf32, #tpu.memory_space<vmem>>, vector<16xf32>,
      %mul3A_169 = arith.constant 128 : i32
      %mul3A_170 = arith.muli %select_n3A_90, %mul3A_169 : i32
      %add3A_171 = arith.constant 64 : i32
      %add3A_172 = arith.addi %mul3A_170, %add3A_171 : i32
      %get3A_173 = arith.index_cast %add3A_172 : i32 to index
      %get3A_174 = tpu.vector_load %arg12[%get3A_173] {strides = array<i32>} : memref<8320xf32, #tpu.memory_space<vmem>>, vector<16xf32>,
      %mul3A_175 = arith.constant 128 : i32
      %mul3A_176 = arith.muli %select_n3A_106, %mul3A_175 : i32
      %add3A_177 = arith.constant 64 : i32
      %add3A_178 = arith.addi %mul3A_176, %add3A_177 : i32
      %get3A_179 = arith.index_cast %add3A_178 : i32 to index
      %get3A_180 = tpu.vector_load %arg9[%get3A_179] {strides = array<i32>} : memref<640xf32, #tpu.memory_space<vmem>>, vector<16xf32>,
      %add3A_181 = arith.addf %get3A_174, %get3A_180 : vector<16xf32>
      %swap3A_182 = arith.index_cast %scan3A_64 : i32 to index
      %swap3A_183 = arith.constant 64 : index
      %swap3A_184 = tpu.vector_load %arg16[%swap3A_182, %swap3A_183] {strides = array<i32>} : memref<21x128xf32, #tpu.memory_space<vmem>>, vector<16xf32>,
      tpu.vector_store %arg16[%swap3A_182, %swap3A_183], %add3A_181 {strides = array<i32>} : memref<21x128xf32, #tpu.memory_space<vmem>>, vector<16xf32>,
      %mul3A_185 = arith.constant 128 : i32
      %mul3A_186 = arith.muli %select_n3A_90, %mul3A_185 : i32
      %add3A_187 = arith.constant 80 : i32
      %add3A_188 = arith.addi %mul3A_186, %add3A_187 : i32
      %get3A_189 = arith.index_cast %add3A_188 : i32 to index
      %get3A_190 = tpu.vector_load %arg12[%get3A_189] {strides = array<i32>} : memref<8320xf32, #tpu.memory_space<vmem>>, vector<16xf32>,
      %mul3A_191 = arith.constant 128 : i32
      %mul3A_192 = arith.muli %select_n3A_106, %mul3A_191 : i32
      %add3A_193 = arith.constant 80 : i32
      %add3A_194 = arith.addi %mul3A_192, %add3A_193 : i32
      %get3A_195 = arith.index_cast %add3A_194 : i32 to index
      %get3A_196 = tpu.vector_load %arg9[%get3A_195] {strides = array<i32>} : memref<640xf32, #tpu.memory_space<vmem>>, vector<16xf32>,
      %add3A_197 = arith.addf %get3A_190, %get3A_196 : vector<16xf32>
      %swap3A_198 = arith.index_cast %scan3A_64 : i32 to index
      %swap3A_199 = arith.constant 80 : index
      %swap3A_200 = tpu.vector_load %arg16[%swap3A_198, %swap3A_199] {strides = array<i32>} : memref<21x128xf32, #tpu.memory_space<vmem>>, vector<16xf32>,
      tpu.vector_store %arg16[%swap3A_198, %swap3A_199], %add3A_197 {strides = array<i32>} : memref<21x128xf32, #tpu.memory_space<vmem>>, vector<16xf32>,
      %mul3A_201 = arith.constant 128 : i32
      %mul3A_202 = arith.muli %select_n3A_90, %mul3A_201 : i32
      %add3A_203 = arith.constant 96 : i32
      %add3A_204 = arith.addi %mul3A_202, %add3A_203 : i32
      %get3A_205 = arith.index_cast %add3A_204 : i32 to index
      %get3A_206 = tpu.vector_load %arg12[%get3A_205] {strides = array<i32>} : memref<8320xf32, #tpu.memory_space<vmem>>, vector<16xf32>,
      %mul3A_207 = arith.constant 128 : i32
      %mul3A_208 = arith.muli %select_n3A_106, %mul3A_207 : i32
      %add3A_209 = arith.constant 96 : i32
      %add3A_210 = arith.addi %mul3A_208, %add3A_209 : i32
      %get3A_211 = arith.index_cast %add3A_210 : i32 to index
      %get3A_212 = tpu.vector_load %arg9[%get3A_211] {strides = array<i32>} : memref<640xf32, #tpu.memory_space<vmem>>, vector<16xf32>,
      %add3A_213 = arith.addf %get3A_206, %get3A_212 : vector<16xf32>
      %swap3A_214 = arith.index_cast %scan3A_64 : i32 to index
      %swap3A_215 = arith.constant 96 : index
      %swap3A_216 = tpu.vector_load %arg16[%swap3A_214, %swap3A_215] {strides = array<i32>} : memref<21x128xf32, #tpu.memory_space<vmem>>, vector<16xf32>,
      tpu.vector_store %arg16[%swap3A_214, %swap3A_215], %add3A_213 {strides = array<i32>} : memref<21x128xf32, #tpu.memory_space<vmem>>, vector<16xf32>,
      %mul3A_217 = arith.constant 128 : i32
      %mul3A_218 = arith.muli %select_n3A_90, %mul3A_217 : i32
      %add3A_219 = arith.constant 112 : i32
      %add3A_220 = arith.addi %mul3A_218, %add3A_219 : i32
      %get3A_221 = arith.index_cast %add3A_220 : i32 to index
      %get3A_222 = tpu.vector_load %arg12[%get3A_221] {strides = array<i32>} : memref<8320xf32, #tpu.memory_space<vmem>>, vector<16xf32>,
      %mul3A_223 = arith.constant 128 : i32
      %mul3A_224 = arith.muli %select_n3A_106, %mul3A_223 : i32
      %add3A_225 = arith.constant 112 : i32
      %add3A_226 = arith.addi %mul3A_224, %add3A_225 : i32
      %get3A_227 = arith.index_cast %add3A_226 : i32 to index
      %get3A_228 = tpu.vector_load %arg9[%get3A_227] {strides = array<i32>} : memref<640xf32, #tpu.memory_space<vmem>>, vector<16xf32>,
      %add3A_229 = arith.addf %get3A_222, %get3A_228 : vector<16xf32>
      %swap3A_230 = arith.index_cast %scan3A_64 : i32 to index
      %swap3A_231 = arith.constant 112 : index
      %swap3A_232 = tpu.vector_load %arg16[%swap3A_230, %swap3A_231] {strides = array<i32>} : memref<21x128xf32, #tpu.memory_space<vmem>>, vector<16xf32>,
      tpu.vector_store %arg16[%swap3A_230, %swap3A_231], %add3A_229 {strides = array<i32>} : memref<21x128xf32, #tpu.memory_space<vmem>>, vector<16xf32>,
    }
    %scan3A_39 = arith.constant 21 : i32
    "tpu.region"() ({
      %run_scoped3A = tpu.sem_alloc : memref<!tpu.dma_semaphore, #tpu.memory_space<semaphore_mem>>
      %dma_start3A = arith.constant 0 : i32
      %dma_start3A_64 = tpu.memref_slice %arg15[%mul3A_34, %dma_start3A] : memref<336x128xf32, #tpu.memory_space<vmem_shared>> -> memref<21x128xf32, #tpu.memory_space<vmem_shared>>
      %dma_start3A_65 = arith.constant 0 : i32
      %dma_start3A_66 = tpu.memref_slice %arg15[%mul3A_34, %dma_start3A_65] : memref<336x128xf32, #tpu.memory_space<vmem_shared>> -> memref<21x128xf32, #tpu.memory_space<vmem_shared>>
      tpu.enqueue_dma source(%arg16 : memref<21x128xf32, #tpu.memory_space<vmem>>) target(%dma_start3A_66 : memref<21x128xf32, #tpu.memory_space<vmem_shared>>) target_semaphore(%run_scoped3A : memref<!tpu.dma_semaphore, #tpu.memory_space<semaphore_mem>>)
      %dma_wait3A_67 = arith.constant 0 : i32
      %dma_wait3A_68 = tpu.memref_slice %arg15[%mul3A_34, %dma_wait3A_67] : memref<336x128xf32, #tpu.memory_space<vmem_shared>> -> memref<21x128xf32, #tpu.memory_space<vmem_shared>>
      %dma_wait3A_69 = arith.constant 0 : i32
      %dma_wait3A_70 = tpu.memref_slice %arg15[%mul3A_34, %dma_wait3A_69] : memref<336x128xf32, #tpu.memory_space<vmem_shared>> -> memref<21x128xf32, #tpu.memory_space<vmem_shared>>
      tpu.wait_dma2 semaphore(%run_scoped3A : memref<!tpu.dma_semaphore, #tpu.memory_space<semaphore_mem>>) src(%arg16 : memref<21x128xf32, #tpu.memory_space<vmem>>) dst(%dma_wait3A_70 : memref<21x128xf32, #tpu.memory_space<vmem_shared>>)
      tpu.yield
    }) : () -> ()
    %barrier3A = arith.constant 0 : index
    tpu.barrier barrier_id(%barrier3A)
    %scan3A_40 = arith.constant 0 : i32
    %scan3A_41 = arith.constant 0 : i32
    %scan3A_42 = arith.constant 32 : i32
    %scan3A_43 = arith.addi %scan3A_41, %scan3A_42 : i32
    %scan3A_44 = arith.constant 1 : i32
    scf.for %scan3A_64 = %scan3A_41 to %scan3A_43 step %scan3A_44  : i32 {
      %add3A_65 = arith.addi %select_n3A_32, %scan3A_64 : i32
      %broadcast_in_dim3A = vector.broadcast %add3A_65 : i32 to vector<16xi32>
      %gather3A = tpu.vector_load_idx %arg14[%broadcast_in_dim3A] : memref<512xi32, #tpu.memory_space<vmem>>[vector<16xi32>], vector<16xi32>,
      %gather3A_66 = tpu.vector_load_idx %arg10[%broadcast_in_dim3A] : memref<512xi32, #tpu.memory_space<vmem>>[vector<16xi32>], vector<16xi32>,
      %get3A = arith.constant 0 : index
      %get3A_67 = tpu.vector_load %arg14[%get3A] {strides = array<i32>} : memref<512xi32, #tpu.memory_space<vmem>>, vector<16xi32>,
      %get3A_68 = arith.constant 0 : index
      %get3A_69 = tpu.vector_load %arg10[%get3A_68] {strides = array<i32>} : memref<512xi32, #tpu.memory_space<vmem>>, vector<16xi32>,
      %sub3A_70 = arith.subi %get3A_67, %gather3A : vector<16xi32>
      %add3A_71 = arith.constant 32 : i32
      %add3A_72 = vector.broadcast %add3A_71 : i32 to vector<16xi32>
      %add3A_73 = arith.addi %sub3A_70, %add3A_72 : vector<16xi32>
      %jit3A_74 = arith.constant 0 : i32
      %jit3A_75 = arith.constant 64 : i32
      %max3A = vector.broadcast %jit3A_74 : i32 to vector<16xi32>
      %max3A_76 = arith.maxsi %max3A, %add3A_73 : vector<16xi32>
      %min3A = vector.broadcast %jit3A_75 : i32 to vector<16xi32>
      %min3A_77 = arith.minsi %min3A, %max3A_76 : vector<16xi32>
      %sub3A_78 = arith.subi %get3A_69, %gather3A_66 : vector<16xi32>
      %add3A_79 = arith.constant 2 : i32
      %add3A_80 = vector.broadcast %add3A_79 : i32 to vector<16xi32>
      %add3A_81 = arith.addi %sub3A_78, %add3A_80 : vector<16xi32>
      %jit3A_82 = arith.constant 0 : i32
      %jit3A_83 = arith.constant 4 : i32
      %max3A_84 = vector.broadcast %jit3A_82 : i32 to vector<16xi32>
      %max3A_85 = arith.maxsi %max3A_84, %add3A_81 : vector<16xi32>
      %min3A_86 = vector.broadcast %jit3A_83 : i32 to vector<16xi32>
      %min3A_87 = arith.minsi %min3A_86, %max3A_85 : vector<16xi32>
      %mul3A_88 = arith.constant 5 : i32
      %mul3A_89 = vector.broadcast %mul3A_88 : i32 to vector<16xi32>
      %mul3A_90 = arith.muli %min3A_77, %mul3A_89 : vector<16xi32>
      %add3A_91 = arith.addi %mul3A_90, %min3A_87 : vector<16xi32>
      %swap3A = arith.constant 0 : i32
      %swap3A_92 = arith.index_cast %swap3A : i32 to index
      %swap3A_93 = arith.constant 0 : index
      %swap3A_94 = tpu.vector_load %arg11[%swap3A_92, %swap3A_93] {strides = array<i32>} : memref<4x128xi32, #tpu.memory_space<vmem>>, vector<16xi32>,
      tpu.vector_store %arg11[%swap3A_92, %swap3A_93], %add3A_91 {strides = array<i32>} : memref<4x128xi32, #tpu.memory_space<vmem>>, vector<16xi32>,
      %get3A_95 = arith.constant 16 : index
      %get3A_96 = tpu.vector_load %arg14[%get3A_95] {strides = array<i32>} : memref<512xi32, #tpu.memory_space<vmem>>, vector<16xi32>,
      %get3A_97 = arith.constant 16 : index
      %get3A_98 = tpu.vector_load %arg10[%get3A_97] {strides = array<i32>} : memref<512xi32, #tpu.memory_space<vmem>>, vector<16xi32>,
      %sub3A_99 = arith.subi %get3A_96, %gather3A : vector<16xi32>
      %add3A_100 = arith.constant 32 : i32
      %add3A_101 = vector.broadcast %add3A_100 : i32 to vector<16xi32>
      %add3A_102 = arith.addi %sub3A_99, %add3A_101 : vector<16xi32>
      %jit3A_103 = arith.constant 0 : i32
      %jit3A_104 = arith.constant 64 : i32
      %max3A_105 = vector.broadcast %jit3A_103 : i32 to vector<16xi32>
      %max3A_106 = arith.maxsi %max3A_105, %add3A_102 : vector<16xi32>
      %min3A_107 = vector.broadcast %jit3A_104 : i32 to vector<16xi32>
      %min3A_108 = arith.minsi %min3A_107, %max3A_106 : vector<16xi32>
      %sub3A_109 = arith.subi %get3A_98, %gather3A_66 : vector<16xi32>
      %add3A_110 = arith.constant 2 : i32
      %add3A_111 = vector.broadcast %add3A_110 : i32 to vector<16xi32>
      %add3A_112 = arith.addi %sub3A_109, %add3A_111 : vector<16xi32>
      %jit3A_113 = arith.constant 0 : i32
      %jit3A_114 = arith.constant 4 : i32
      %max3A_115 = vector.broadcast %jit3A_113 : i32 to vector<16xi32>
      %max3A_116 = arith.maxsi %max3A_115, %add3A_112 : vector<16xi32>
      %min3A_117 = vector.broadcast %jit3A_114 : i32 to vector<16xi32>
      %min3A_118 = arith.minsi %min3A_117, %max3A_116 : vector<16xi32>
      %mul3A_119 = arith.constant 5 : i32
      %mul3A_120 = vector.broadcast %mul3A_119 : i32 to vector<16xi32>
      %mul3A_121 = arith.muli %min3A_108, %mul3A_120 : vector<16xi32>
      %add3A_122 = arith.addi %mul3A_121, %min3A_118 : vector<16xi32>
      %swap3A_123 = arith.constant 0 : i32
      %swap3A_124 = arith.index_cast %swap3A_123 : i32 to index
      %swap3A_125 = arith.constant 16 : index
      %swap3A_126 = tpu.vector_load %arg11[%swap3A_124, %swap3A_125] {strides = array<i32>} : memref<4x128xi32, #tpu.memory_space<vmem>>, vector<16xi32>,
      tpu.vector_store %arg11[%swap3A_124, %swap3A_125], %add3A_122 {strides = array<i32>} : memref<4x128xi32, #tpu.memory_space<vmem>>, vector<16xi32>,
      %get3A_127 = arith.constant 32 : index
      %get3A_128 = tpu.vector_load %arg14[%get3A_127] {strides = array<i32>} : memref<512xi32, #tpu.memory_space<vmem>>, vector<16xi32>,
      %get3A_129 = arith.constant 32 : index
      %get3A_130 = tpu.vector_load %arg10[%get3A_129] {strides = array<i32>} : memref<512xi32, #tpu.memory_space<vmem>>, vector<16xi32>,
      %sub3A_131 = arith.subi %get3A_128, %gather3A : vector<16xi32>
      %add3A_132 = arith.constant 32 : i32
      %add3A_133 = vector.broadcast %add3A_132 : i32 to vector<16xi32>
      %add3A_134 = arith.addi %sub3A_131, %add3A_133 : vector<16xi32>
      %jit3A_135 = arith.constant 0 : i32
      %jit3A_136 = arith.constant 64 : i32
      %max3A_137 = vector.broadcast %jit3A_135 : i32 to vector<16xi32>
      %max3A_138 = arith.maxsi %max3A_137, %add3A_134 : vector<16xi32>
      %min3A_139 = vector.broadcast %jit3A_136 : i32 to vector<16xi32>
      %min3A_140 = arith.minsi %min3A_139, %max3A_138 : vector<16xi32>
      %sub3A_141 = arith.subi %get3A_130, %gather3A_66 : vector<16xi32>
      %add3A_142 = arith.constant 2 : i32
      %add3A_143 = vector.broadcast %add3A_142 : i32 to vector<16xi32>
      %add3A_144 = arith.addi %sub3A_141, %add3A_143 : vector<16xi32>
      %jit3A_145 = arith.constant 0 : i32
      %jit3A_146 = arith.constant 4 : i32
      %max3A_147 = vector.broadcast %jit3A_145 : i32 to vector<16xi32>
      %max3A_148 = arith.maxsi %max3A_147, %add3A_144 : vector<16xi32>
      %min3A_149 = vector.broadcast %jit3A_146 : i32 to vector<16xi32>
      %min3A_150 = arith.minsi %min3A_149, %max3A_148 : vector<16xi32>
      %mul3A_151 = arith.constant 5 : i32
      %mul3A_152 = vector.broadcast %mul3A_151 : i32 to vector<16xi32>
      %mul3A_153 = arith.muli %min3A_140, %mul3A_152 : vector<16xi32>
      %add3A_154 = arith.addi %mul3A_153, %min3A_150 : vector<16xi32>
      %swap3A_155 = arith.constant 0 : i32
      %swap3A_156 = arith.index_cast %swap3A_155 : i32 to index
      %swap3A_157 = arith.constant 32 : index
      %swap3A_158 = tpu.vector_load %arg11[%swap3A_156, %swap3A_157] {strides = array<i32>} : memref<4x128xi32, #tpu.memory_space<vmem>>, vector<16xi32>,
      tpu.vector_store %arg11[%swap3A_156, %swap3A_157], %add3A_154 {strides = array<i32>} : memref<4x128xi32, #tpu.memory_space<vmem>>, vector<16xi32>,
      %get3A_159 = arith.constant 48 : index
      %get3A_160 = tpu.vector_load %arg14[%get3A_159] {strides = array<i32>} : memref<512xi32, #tpu.memory_space<vmem>>, vector<16xi32>,
      %get3A_161 = arith.constant 48 : index
      %get3A_162 = tpu.vector_load %arg10[%get3A_161] {strides = array<i32>} : memref<512xi32, #tpu.memory_space<vmem>>, vector<16xi32>,
      %sub3A_163 = arith.subi %get3A_160, %gather3A : vector<16xi32>
      %add3A_164 = arith.constant 32 : i32
      %add3A_165 = vector.broadcast %add3A_164 : i32 to vector<16xi32>
      %add3A_166 = arith.addi %sub3A_163, %add3A_165 : vector<16xi32>
      %jit3A_167 = arith.constant 0 : i32
      %jit3A_168 = arith.constant 64 : i32
      %max3A_169 = vector.broadcast %jit3A_167 : i32 to vector<16xi32>
      %max3A_170 = arith.maxsi %max3A_169, %add3A_166 : vector<16xi32>
      %min3A_171 = vector.broadcast %jit3A_168 : i32 to vector<16xi32>
      %min3A_172 = arith.minsi %min3A_171, %max3A_170 : vector<16xi32>
      %sub3A_173 = arith.subi %get3A_162, %gather3A_66 : vector<16xi32>
      %add3A_174 = arith.constant 2 : i32
      %add3A_175 = vector.broadcast %add3A_174 : i32 to vector<16xi32>
      %add3A_176 = arith.addi %sub3A_173, %add3A_175 : vector<16xi32>
      %jit3A_177 = arith.constant 0 : i32
      %jit3A_178 = arith.constant 4 : i32
      %max3A_179 = vector.broadcast %jit3A_177 : i32 to vector<16xi32>
      %max3A_180 = arith.maxsi %max3A_179, %add3A_176 : vector<16xi32>
      %min3A_181 = vector.broadcast %jit3A_178 : i32 to vector<16xi32>
      %min3A_182 = arith.minsi %min3A_181, %max3A_180 : vector<16xi32>
      %mul3A_183 = arith.constant 5 : i32
      %mul3A_184 = vector.broadcast %mul3A_183 : i32 to vector<16xi32>
      %mul3A_185 = arith.muli %min3A_172, %mul3A_184 : vector<16xi32>
      %add3A_186 = arith.addi %mul3A_185, %min3A_182 : vector<16xi32>
      %swap3A_187 = arith.constant 0 : i32
      %swap3A_188 = arith.index_cast %swap3A_187 : i32 to index
      %swap3A_189 = arith.constant 48 : index
      %swap3A_190 = tpu.vector_load %arg11[%swap3A_188, %swap3A_189] {strides = array<i32>} : memref<4x128xi32, #tpu.memory_space<vmem>>, vector<16xi32>,
      tpu.vector_store %arg11[%swap3A_188, %swap3A_189], %add3A_186 {strides = array<i32>} : memref<4x128xi32, #tpu.memory_space<vmem>>, vector<16xi32>,
      %get3A_191 = arith.constant 64 : index
      %get3A_192 = tpu.vector_load %arg14[%get3A_191] {strides = array<i32>} : memref<512xi32, #tpu.memory_space<vmem>>, vector<16xi32>,
      %get3A_193 = arith.constant 64 : index
      %get3A_194 = tpu.vector_load %arg10[%get3A_193] {strides = array<i32>} : memref<512xi32, #tpu.memory_space<vmem>>, vector<16xi32>,
      %sub3A_195 = arith.subi %get3A_192, %gather3A : vector<16xi32>
      %add3A_196 = arith.constant 32 : i32
      %add3A_197 = vector.broadcast %add3A_196 : i32 to vector<16xi32>
      %add3A_198 = arith.addi %sub3A_195, %add3A_197 : vector<16xi32>
      %jit3A_199 = arith.constant 0 : i32
      %jit3A_200 = arith.constant 64 : i32
      %max3A_201 = vector.broadcast %jit3A_199 : i32 to vector<16xi32>
      %max3A_202 = arith.maxsi %max3A_201, %add3A_198 : vector<16xi32>
      %min3A_203 = vector.broadcast %jit3A_200 : i32 to vector<16xi32>
      %min3A_204 = arith.minsi %min3A_203, %max3A_202 : vector<16xi32>
      %sub3A_205 = arith.subi %get3A_194, %gather3A_66 : vector<16xi32>
      %add3A_206 = arith.constant 2 : i32
      %add3A_207 = vector.broadcast %add3A_206 : i32 to vector<16xi32>
      %add3A_208 = arith.addi %sub3A_205, %add3A_207 : vector<16xi32>
      %jit3A_209 = arith.constant 0 : i32
      %jit3A_210 = arith.constant 4 : i32
      %max3A_211 = vector.broadcast %jit3A_209 : i32 to vector<16xi32>
      %max3A_212 = arith.maxsi %max3A_211, %add3A_208 : vector<16xi32>
      %min3A_213 = vector.broadcast %jit3A_210 : i32 to vector<16xi32>
      %min3A_214 = arith.minsi %min3A_213, %max3A_212 : vector<16xi32>
      %mul3A_215 = arith.constant 5 : i32
      %mul3A_216 = vector.broadcast %mul3A_215 : i32 to vector<16xi32>
      %mul3A_217 = arith.muli %min3A_204, %mul3A_216 : vector<16xi32>
      %add3A_218 = arith.addi %mul3A_217, %min3A_214 : vector<16xi32>
      %swap3A_219 = arith.constant 0 : i32
      %swap3A_220 = arith.index_cast %swap3A_219 : i32 to index
      %swap3A_221 = arith.constant 64 : index
      %swap3A_222 = tpu.vector_load %arg11[%swap3A_220, %swap3A_221] {strides = array<i32>} : memref<4x128xi32, #tpu.memory_space<vmem>>, vector<16xi32>,
      tpu.vector_store %arg11[%swap3A_220, %swap3A_221], %add3A_218 {strides = array<i32>} : memref<4x128xi32, #tpu.memory_space<vmem>>, vector<16xi32>,
      %get3A_223 = arith.constant 80 : index
      %get3A_224 = tpu.vector_load %arg14[%get3A_223] {strides = array<i32>} : memref<512xi32, #tpu.memory_space<vmem>>, vector<16xi32>,
      %get3A_225 = arith.constant 80 : index
      %get3A_226 = tpu.vector_load %arg10[%get3A_225] {strides = array<i32>} : memref<512xi32, #tpu.memory_space<vmem>>, vector<16xi32>,
      %sub3A_227 = arith.subi %get3A_224, %gather3A : vector<16xi32>
      %add3A_228 = arith.constant 32 : i32
      %add3A_229 = vector.broadcast %add3A_228 : i32 to vector<16xi32>
      %add3A_230 = arith.addi %sub3A_227, %add3A_229 : vector<16xi32>
      %jit3A_231 = arith.constant 0 : i32
      %jit3A_232 = arith.constant 64 : i32
      %max3A_233 = vector.broadcast %jit3A_231 : i32 to vector<16xi32>
      %max3A_234 = arith.maxsi %max3A_233, %add3A_230 : vector<16xi32>
      %min3A_235 = vector.broadcast %jit3A_232 : i32 to vector<16xi32>
      %min3A_236 = arith.minsi %min3A_235, %max3A_234 : vector<16xi32>
      %sub3A_237 = arith.subi %get3A_226, %gather3A_66 : vector<16xi32>
      %add3A_238 = arith.constant 2 : i32
      %add3A_239 = vector.broadcast %add3A_238 : i32 to vector<16xi32>
      %add3A_240 = arith.addi %sub3A_237, %add3A_239 : vector<16xi32>
      %jit3A_241 = arith.constant 0 : i32
      %jit3A_242 = arith.constant 4 : i32
      %max3A_243 = vector.broadcast %jit3A_241 : i32 to vector<16xi32>
      %max3A_244 = arith.maxsi %max3A_243, %add3A_240 : vector<16xi32>
      %min3A_245 = vector.broadcast %jit3A_242 : i32 to vector<16xi32>
      %min3A_246 = arith.minsi %min3A_245, %max3A_244 : vector<16xi32>
      %mul3A_247 = arith.constant 5 : i32
      %mul3A_248 = vector.broadcast %mul3A_247 : i32 to vector<16xi32>
      %mul3A_249 = arith.muli %min3A_236, %mul3A_248 : vector<16xi32>
      %add3A_250 = arith.addi %mul3A_249, %min3A_246 : vector<16xi32>
      %swap3A_251 = arith.constant 0 : i32
      %swap3A_252 = arith.index_cast %swap3A_251 : i32 to index
      %swap3A_253 = arith.constant 80 : index
      %swap3A_254 = tpu.vector_load %arg11[%swap3A_252, %swap3A_253] {strides = array<i32>} : memref<4x128xi32, #tpu.memory_space<vmem>>, vector<16xi32>,
      tpu.vector_store %arg11[%swap3A_252, %swap3A_253], %add3A_250 {strides = array<i32>} : memref<4x128xi32, #tpu.memory_space<vmem>>, vector<16xi32>,
      %get3A_255 = arith.constant 96 : index
      %get3A_256 = tpu.vector_load %arg14[%get3A_255] {strides = array<i32>} : memref<512xi32, #tpu.memory_space<vmem>>, vector<16xi32>,
      %get3A_257 = arith.constant 96 : index
      %get3A_258 = tpu.vector_load %arg10[%get3A_257] {strides = array<i32>} : memref<512xi32, #tpu.memory_space<vmem>>, vector<16xi32>,
      %sub3A_259 = arith.subi %get3A_256, %gather3A : vector<16xi32>
      %add3A_260 = arith.constant 32 : i32
      %add3A_261 = vector.broadcast %add3A_260 : i32 to vector<16xi32>
      %add3A_262 = arith.addi %sub3A_259, %add3A_261 : vector<16xi32>
      %jit3A_263 = arith.constant 0 : i32
      %jit3A_264 = arith.constant 64 : i32
      %max3A_265 = vector.broadcast %jit3A_263 : i32 to vector<16xi32>
      %max3A_266 = arith.maxsi %max3A_265, %add3A_262 : vector<16xi32>
      %min3A_267 = vector.broadcast %jit3A_264 : i32 to vector<16xi32>
      %min3A_268 = arith.minsi %min3A_267, %max3A_266 : vector<16xi32>
      %sub3A_269 = arith.subi %get3A_258, %gather3A_66 : vector<16xi32>
      %add3A_270 = arith.constant 2 : i32
      %add3A_271 = vector.broadcast %add3A_270 : i32 to vector<16xi32>
      %add3A_272 = arith.addi %sub3A_269, %add3A_271 : vector<16xi32>
      %jit3A_273 = arith.constant 0 : i32
      %jit3A_274 = arith.constant 4 : i32
      %max3A_275 = vector.broadcast %jit3A_273 : i32 to vector<16xi32>
      %max3A_276 = arith.maxsi %max3A_275, %add3A_272 : vector<16xi32>
      %min3A_277 = vector.broadcast %jit3A_274 : i32 to vector<16xi32>
      %min3A_278 = arith.minsi %min3A_277, %max3A_276 : vector<16xi32>
      %mul3A_279 = arith.constant 5 : i32
      %mul3A_280 = vector.broadcast %mul3A_279 : i32 to vector<16xi32>
      %mul3A_281 = arith.muli %min3A_268, %mul3A_280 : vector<16xi32>
      %add3A_282 = arith.addi %mul3A_281, %min3A_278 : vector<16xi32>
      %swap3A_283 = arith.constant 0 : i32
      %swap3A_284 = arith.index_cast %swap3A_283 : i32 to index
      %swap3A_285 = arith.constant 96 : index
      %swap3A_286 = tpu.vector_load %arg11[%swap3A_284, %swap3A_285] {strides = array<i32>} : memref<4x128xi32, #tpu.memory_space<vmem>>, vector<16xi32>,
      tpu.vector_store %arg11[%swap3A_284, %swap3A_285], %add3A_282 {strides = array<i32>} : memref<4x128xi32, #tpu.memory_space<vmem>>, vector<16xi32>,
      %get3A_287 = arith.constant 112 : index
      %get3A_288 = tpu.vector_load %arg14[%get3A_287] {strides = array<i32>} : memref<512xi32, #tpu.memory_space<vmem>>, vector<16xi32>,
      %get3A_289 = arith.constant 112 : index
      %get3A_290 = tpu.vector_load %arg10[%get3A_289] {strides = array<i32>} : memref<512xi32, #tpu.memory_space<vmem>>, vector<16xi32>,
      %sub3A_291 = arith.subi %get3A_288, %gather3A : vector<16xi32>
      %add3A_292 = arith.constant 32 : i32
      %add3A_293 = vector.broadcast %add3A_292 : i32 to vector<16xi32>
      %add3A_294 = arith.addi %sub3A_291, %add3A_293 : vector<16xi32>
      %jit3A_295 = arith.constant 0 : i32
      %jit3A_296 = arith.constant 64 : i32
      %max3A_297 = vector.broadcast %jit3A_295 : i32 to vector<16xi32>
      %max3A_298 = arith.maxsi %max3A_297, %add3A_294 : vector<16xi32>
      %min3A_299 = vector.broadcast %jit3A_296 : i32 to vector<16xi32>
      %min3A_300 = arith.minsi %min3A_299, %max3A_298 : vector<16xi32>
      %sub3A_301 = arith.subi %get3A_290, %gather3A_66 : vector<16xi32>
      %add3A_302 = arith.constant 2 : i32
      %add3A_303 = vector.broadcast %add3A_302 : i32 to vector<16xi32>
      %add3A_304 = arith.addi %sub3A_301, %add3A_303 : vector<16xi32>
      %jit3A_305 = arith.constant 0 : i32
      %jit3A_306 = arith.constant 4 : i32
      %max3A_307 = vector.broadcast %jit3A_305 : i32 to vector<16xi32>
      %max3A_308 = arith.maxsi %max3A_307, %add3A_304 : vector<16xi32>
      %min3A_309 = vector.broadcast %jit3A_306 : i32 to vector<16xi32>
      %min3A_310 = arith.minsi %min3A_309, %max3A_308 : vector<16xi32>
      %mul3A_311 = arith.constant 5 : i32
      %mul3A_312 = vector.broadcast %mul3A_311 : i32 to vector<16xi32>
      %mul3A_313 = arith.muli %min3A_300, %mul3A_312 : vector<16xi32>
      %add3A_314 = arith.addi %mul3A_313, %min3A_310 : vector<16xi32>
      %swap3A_315 = arith.constant 0 : i32
      %swap3A_316 = arith.index_cast %swap3A_315 : i32 to index
      %swap3A_317 = arith.constant 112 : index
      %swap3A_318 = tpu.vector_load %arg11[%swap3A_316, %swap3A_317] {strides = array<i32>} : memref<4x128xi32, #tpu.memory_space<vmem>>, vector<16xi32>,
      tpu.vector_store %arg11[%swap3A_316, %swap3A_317], %add3A_314 {strides = array<i32>} : memref<4x128xi32, #tpu.memory_space<vmem>>, vector<16xi32>,
      %get3A_319 = arith.constant 128 : index
      %get3A_320 = tpu.vector_load %arg14[%get3A_319] {strides = array<i32>} : memref<512xi32, #tpu.memory_space<vmem>>, vector<16xi32>,
      %get3A_321 = arith.constant 128 : index
      %get3A_322 = tpu.vector_load %arg10[%get3A_321] {strides = array<i32>} : memref<512xi32, #tpu.memory_space<vmem>>, vector<16xi32>,
      %sub3A_323 = arith.subi %get3A_320, %gather3A : vector<16xi32>
      %add3A_324 = arith.constant 32 : i32
      %add3A_325 = vector.broadcast %add3A_324 : i32 to vector<16xi32>
      %add3A_326 = arith.addi %sub3A_323, %add3A_325 : vector<16xi32>
      %jit3A_327 = arith.constant 0 : i32
      %jit3A_328 = arith.constant 64 : i32
      %max3A_329 = vector.broadcast %jit3A_327 : i32 to vector<16xi32>
      %max3A_330 = arith.maxsi %max3A_329, %add3A_326 : vector<16xi32>
      %min3A_331 = vector.broadcast %jit3A_328 : i32 to vector<16xi32>
      %min3A_332 = arith.minsi %min3A_331, %max3A_330 : vector<16xi32>
      %sub3A_333 = arith.subi %get3A_322, %gather3A_66 : vector<16xi32>
      %add3A_334 = arith.constant 2 : i32
      %add3A_335 = vector.broadcast %add3A_334 : i32 to vector<16xi32>
      %add3A_336 = arith.addi %sub3A_333, %add3A_335 : vector<16xi32>
      %jit3A_337 = arith.constant 0 : i32
      %jit3A_338 = arith.constant 4 : i32
      %max3A_339 = vector.broadcast %jit3A_337 : i32 to vector<16xi32>
      %max3A_340 = arith.maxsi %max3A_339, %add3A_336 : vector<16xi32>
      %min3A_341 = vector.broadcast %jit3A_338 : i32 to vector<16xi32>
      %min3A_342 = arith.minsi %min3A_341, %max3A_340 : vector<16xi32>
      %mul3A_343 = arith.constant 5 : i32
      %mul3A_344 = vector.broadcast %mul3A_343 : i32 to vector<16xi32>
      %mul3A_345 = arith.muli %min3A_332, %mul3A_344 : vector<16xi32>
      %add3A_346 = arith.addi %mul3A_345, %min3A_342 : vector<16xi32>
      %swap3A_347 = arith.constant 1 : i32
      %swap3A_348 = arith.index_cast %swap3A_347 : i32 to index
      %swap3A_349 = arith.constant 0 : index
      %swap3A_350 = tpu.vector_load %arg11[%swap3A_348, %swap3A_349] {strides = array<i32>} : memref<4x128xi32, #tpu.memory_space<vmem>>, vector<16xi32>,
      tpu.vector_store %arg11[%swap3A_348, %swap3A_349], %add3A_346 {strides = array<i32>} : memref<4x128xi32, #tpu.memory_space<vmem>>, vector<16xi32>,
      %get3A_351 = arith.constant 144 : index
      %get3A_352 = tpu.vector_load %arg14[%get3A_351] {strides = array<i32>} : memref<512xi32, #tpu.memory_space<vmem>>, vector<16xi32>,
      %get3A_353 = arith.constant 144 : index
      %get3A_354 = tpu.vector_load %arg10[%get3A_353] {strides = array<i32>} : memref<512xi32, #tpu.memory_space<vmem>>, vector<16xi32>,
      %sub3A_355 = arith.subi %get3A_352, %gather3A : vector<16xi32>
      %add3A_356 = arith.constant 32 : i32
      %add3A_357 = vector.broadcast %add3A_356 : i32 to vector<16xi32>
      %add3A_358 = arith.addi %sub3A_355, %add3A_357 : vector<16xi32>
      %jit3A_359 = arith.constant 0 : i32
      %jit3A_360 = arith.constant 64 : i32
      %max3A_361 = vector.broadcast %jit3A_359 : i32 to vector<16xi32>
      %max3A_362 = arith.maxsi %max3A_361, %add3A_358 : vector<16xi32>
      %min3A_363 = vector.broadcast %jit3A_360 : i32 to vector<16xi32>
      %min3A_364 = arith.minsi %min3A_363, %max3A_362 : vector<16xi32>
      %sub3A_365 = arith.subi %get3A_354, %gather3A_66 : vector<16xi32>
      %add3A_366 = arith.constant 2 : i32
      %add3A_367 = vector.broadcast %add3A_366 : i32 to vector<16xi32>
      %add3A_368 = arith.addi %sub3A_365, %add3A_367 : vector<16xi32>
      %jit3A_369 = arith.constant 0 : i32
      %jit3A_370 = arith.constant 4 : i32
      %max3A_371 = vector.broadcast %jit3A_369 : i32 to vector<16xi32>
      %max3A_372 = arith.maxsi %max3A_371, %add3A_368 : vector<16xi32>
      %min3A_373 = vector.broadcast %jit3A_370 : i32 to vector<16xi32>
      %min3A_374 = arith.minsi %min3A_373, %max3A_372 : vector<16xi32>
      %mul3A_375 = arith.constant 5 : i32
      %mul3A_376 = vector.broadcast %mul3A_375 : i32 to vector<16xi32>
      %mul3A_377 = arith.muli %min3A_364, %mul3A_376 : vector<16xi32>
      %add3A_378 = arith.addi %mul3A_377, %min3A_374 : vector<16xi32>
      %swap3A_379 = arith.constant 1 : i32
      %swap3A_380 = arith.index_cast %swap3A_379 : i32 to index
      %swap3A_381 = arith.constant 16 : index
      %swap3A_382 = tpu.vector_load %arg11[%swap3A_380, %swap3A_381] {strides = array<i32>} : memref<4x128xi32, #tpu.memory_space<vmem>>, vector<16xi32>,
      tpu.vector_store %arg11[%swap3A_380, %swap3A_381], %add3A_378 {strides = array<i32>} : memref<4x128xi32, #tpu.memory_space<vmem>>, vector<16xi32>,
      %get3A_383 = arith.constant 160 : index
      %get3A_384 = tpu.vector_load %arg14[%get3A_383] {strides = array<i32>} : memref<512xi32, #tpu.memory_space<vmem>>, vector<16xi32>,
      %get3A_385 = arith.constant 160 : index
      %get3A_386 = tpu.vector_load %arg10[%get3A_385] {strides = array<i32>} : memref<512xi32, #tpu.memory_space<vmem>>, vector<16xi32>,
      %sub3A_387 = arith.subi %get3A_384, %gather3A : vector<16xi32>
      %add3A_388 = arith.constant 32 : i32
      %add3A_389 = vector.broadcast %add3A_388 : i32 to vector<16xi32>
      %add3A_390 = arith.addi %sub3A_387, %add3A_389 : vector<16xi32>
      %jit3A_391 = arith.constant 0 : i32
      %jit3A_392 = arith.constant 64 : i32
      %max3A_393 = vector.broadcast %jit3A_391 : i32 to vector<16xi32>
      %max3A_394 = arith.maxsi %max3A_393, %add3A_390 : vector<16xi32>
      %min3A_395 = vector.broadcast %jit3A_392 : i32 to vector<16xi32>
      %min3A_396 = arith.minsi %min3A_395, %max3A_394 : vector<16xi32>
      %sub3A_397 = arith.subi %get3A_386, %gather3A_66 : vector<16xi32>
      %add3A_398 = arith.constant 2 : i32
      %add3A_399 = vector.broadcast %add3A_398 : i32 to vector<16xi32>
      %add3A_400 = arith.addi %sub3A_397, %add3A_399 : vector<16xi32>
      %jit3A_401 = arith.constant 0 : i32
      %jit3A_402 = arith.constant 4 : i32
      %max3A_403 = vector.broadcast %jit3A_401 : i32 to vector<16xi32>
      %max3A_404 = arith.maxsi %max3A_403, %add3A_400 : vector<16xi32>
      %min3A_405 = vector.broadcast %jit3A_402 : i32 to vector<16xi32>
      %min3A_406 = arith.minsi %min3A_405, %max3A_404 : vector<16xi32>
      %mul3A_407 = arith.constant 5 : i32
      %mul3A_408 = vector.broadcast %mul3A_407 : i32 to vector<16xi32>
      %mul3A_409 = arith.muli %min3A_396, %mul3A_408 : vector<16xi32>
      %add3A_410 = arith.addi %mul3A_409, %min3A_406 : vector<16xi32>
      %swap3A_411 = arith.constant 1 : i32
      %swap3A_412 = arith.index_cast %swap3A_411 : i32 to index
      %swap3A_413 = arith.constant 32 : index
      %swap3A_414 = tpu.vector_load %arg11[%swap3A_412, %swap3A_413] {strides = array<i32>} : memref<4x128xi32, #tpu.memory_space<vmem>>, vector<16xi32>,
      tpu.vector_store %arg11[%swap3A_412, %swap3A_413], %add3A_410 {strides = array<i32>} : memref<4x128xi32, #tpu.memory_space<vmem>>, vector<16xi32>,
      %get3A_415 = arith.constant 176 : index
      %get3A_416 = tpu.vector_load %arg14[%get3A_415] {strides = array<i32>} : memref<512xi32, #tpu.memory_space<vmem>>, vector<16xi32>,
      %get3A_417 = arith.constant 176 : index
      %get3A_418 = tpu.vector_load %arg10[%get3A_417] {strides = array<i32>} : memref<512xi32, #tpu.memory_space<vmem>>, vector<16xi32>,
      %sub3A_419 = arith.subi %get3A_416, %gather3A : vector<16xi32>
      %add3A_420 = arith.constant 32 : i32
      %add3A_421 = vector.broadcast %add3A_420 : i32 to vector<16xi32>
      %add3A_422 = arith.addi %sub3A_419, %add3A_421 : vector<16xi32>
      %jit3A_423 = arith.constant 0 : i32
      %jit3A_424 = arith.constant 64 : i32
      %max3A_425 = vector.broadcast %jit3A_423 : i32 to vector<16xi32>
      %max3A_426 = arith.maxsi %max3A_425, %add3A_422 : vector<16xi32>
      %min3A_427 = vector.broadcast %jit3A_424 : i32 to vector<16xi32>
      %min3A_428 = arith.minsi %min3A_427, %max3A_426 : vector<16xi32>
      %sub3A_429 = arith.subi %get3A_418, %gather3A_66 : vector<16xi32>
      %add3A_430 = arith.constant 2 : i32
      %add3A_431 = vector.broadcast %add3A_430 : i32 to vector<16xi32>
      %add3A_432 = arith.addi %sub3A_429, %add3A_431 : vector<16xi32>
      %jit3A_433 = arith.constant 0 : i32
      %jit3A_434 = arith.constant 4 : i32
      %max3A_435 = vector.broadcast %jit3A_433 : i32 to vector<16xi32>
      %max3A_436 = arith.maxsi %max3A_435, %add3A_432 : vector<16xi32>
      %min3A_437 = vector.broadcast %jit3A_434 : i32 to vector<16xi32>
      %min3A_438 = arith.minsi %min3A_437, %max3A_436 : vector<16xi32>
      %mul3A_439 = arith.constant 5 : i32
      %mul3A_440 = vector.broadcast %mul3A_439 : i32 to vector<16xi32>
      %mul3A_441 = arith.muli %min3A_428, %mul3A_440 : vector<16xi32>
      %add3A_442 = arith.addi %mul3A_441, %min3A_438 : vector<16xi32>
      %swap3A_443 = arith.constant 1 : i32
      %swap3A_444 = arith.index_cast %swap3A_443 : i32 to index
      %swap3A_445 = arith.constant 48 : index
      %swap3A_446 = tpu.vector_load %arg11[%swap3A_444, %swap3A_445] {strides = array<i32>} : memref<4x128xi32, #tpu.memory_space<vmem>>, vector<16xi32>,
      tpu.vector_store %arg11[%swap3A_444, %swap3A_445], %add3A_442 {strides = array<i32>} : memref<4x128xi32, #tpu.memory_space<vmem>>, vector<16xi32>,
      %get3A_447 = arith.constant 192 : index
      %get3A_448 = tpu.vector_load %arg14[%get3A_447] {strides = array<i32>} : memref<512xi32, #tpu.memory_space<vmem>>, vector<16xi32>,
      %get3A_449 = arith.constant 192 : index
      %get3A_450 = tpu.vector_load %arg10[%get3A_449] {strides = array<i32>} : memref<512xi32, #tpu.memory_space<vmem>>, vector<16xi32>,
      %sub3A_451 = arith.subi %get3A_448, %gather3A : vector<16xi32>
      %add3A_452 = arith.constant 32 : i32
      %add3A_453 = vector.broadcast %add3A_452 : i32 to vector<16xi32>
      %add3A_454 = arith.addi %sub3A_451, %add3A_453 : vector<16xi32>
      %jit3A_455 = arith.constant 0 : i32
      %jit3A_456 = arith.constant 64 : i32
      %max3A_457 = vector.broadcast %jit3A_455 : i32 to vector<16xi32>
      %max3A_458 = arith.maxsi %max3A_457, %add3A_454 : vector<16xi32>
      %min3A_459 = vector.broadcast %jit3A_456 : i32 to vector<16xi32>
      %min3A_460 = arith.minsi %min3A_459, %max3A_458 : vector<16xi32>
      %sub3A_461 = arith.subi %get3A_450, %gather3A_66 : vector<16xi32>
      %add3A_462 = arith.constant 2 : i32
      %add3A_463 = vector.broadcast %add3A_462 : i32 to vector<16xi32>
      %add3A_464 = arith.addi %sub3A_461, %add3A_463 : vector<16xi32>
      %jit3A_465 = arith.constant 0 : i32
      %jit3A_466 = arith.constant 4 : i32
      %max3A_467 = vector.broadcast %jit3A_465 : i32 to vector<16xi32>
      %max3A_468 = arith.maxsi %max3A_467, %add3A_464 : vector<16xi32>
      %min3A_469 = vector.broadcast %jit3A_466 : i32 to vector<16xi32>
      %min3A_470 = arith.minsi %min3A_469, %max3A_468 : vector<16xi32>
      %mul3A_471 = arith.constant 5 : i32
      %mul3A_472 = vector.broadcast %mul3A_471 : i32 to vector<16xi32>
      %mul3A_473 = arith.muli %min3A_460, %mul3A_472 : vector<16xi32>
      %add3A_474 = arith.addi %mul3A_473, %min3A_470 : vector<16xi32>
      %swap3A_475 = arith.constant 1 : i32
      %swap3A_476 = arith.index_cast %swap3A_475 : i32 to index
      %swap3A_477 = arith.constant 64 : index
      %swap3A_478 = tpu.vector_load %arg11[%swap3A_476, %swap3A_477] {strides = array<i32>} : memref<4x128xi32, #tpu.memory_space<vmem>>, vector<16xi32>,
      tpu.vector_store %arg11[%swap3A_476, %swap3A_477], %add3A_474 {strides = array<i32>} : memref<4x128xi32, #tpu.memory_space<vmem>>, vector<16xi32>,
      %get3A_479 = arith.constant 208 : index
      %get3A_480 = tpu.vector_load %arg14[%get3A_479] {strides = array<i32>} : memref<512xi32, #tpu.memory_space<vmem>>, vector<16xi32>,
      %get3A_481 = arith.constant 208 : index
      %get3A_482 = tpu.vector_load %arg10[%get3A_481] {strides = array<i32>} : memref<512xi32, #tpu.memory_space<vmem>>, vector<16xi32>,
      %sub3A_483 = arith.subi %get3A_480, %gather3A : vector<16xi32>
      %add3A_484 = arith.constant 32 : i32
      %add3A_485 = vector.broadcast %add3A_484 : i32 to vector<16xi32>
      %add3A_486 = arith.addi %sub3A_483, %add3A_485 : vector<16xi32>
      %jit3A_487 = arith.constant 0 : i32
      %jit3A_488 = arith.constant 64 : i32
      %max3A_489 = vector.broadcast %jit3A_487 : i32 to vector<16xi32>
      %max3A_490 = arith.maxsi %max3A_489, %add3A_486 : vector<16xi32>
      %min3A_491 = vector.broadcast %jit3A_488 : i32 to vector<16xi32>
      %min3A_492 = arith.minsi %min3A_491, %max3A_490 : vector<16xi32>
      %sub3A_493 = arith.subi %get3A_482, %gather3A_66 : vector<16xi32>
      %add3A_494 = arith.constant 2 : i32
      %add3A_495 = vector.broadcast %add3A_494 : i32 to vector<16xi32>
      %add3A_496 = arith.addi %sub3A_493, %add3A_495 : vector<16xi32>
      %jit3A_497 = arith.constant 0 : i32
      %jit3A_498 = arith.constant 4 : i32
      %max3A_499 = vector.broadcast %jit3A_497 : i32 to vector<16xi32>
      %max3A_500 = arith.maxsi %max3A_499, %add3A_496 : vector<16xi32>
      %min3A_501 = vector.broadcast %jit3A_498 : i32 to vector<16xi32>
      %min3A_502 = arith.minsi %min3A_501, %max3A_500 : vector<16xi32>
      %mul3A_503 = arith.constant 5 : i32
      %mul3A_504 = vector.broadcast %mul3A_503 : i32 to vector<16xi32>
      %mul3A_505 = arith.muli %min3A_492, %mul3A_504 : vector<16xi32>
      %add3A_506 = arith.addi %mul3A_505, %min3A_502 : vector<16xi32>
      %swap3A_507 = arith.constant 1 : i32
      %swap3A_508 = arith.index_cast %swap3A_507 : i32 to index
      %swap3A_509 = arith.constant 80 : index
      %swap3A_510 = tpu.vector_load %arg11[%swap3A_508, %swap3A_509] {strides = array<i32>} : memref<4x128xi32, #tpu.memory_space<vmem>>, vector<16xi32>,
      tpu.vector_store %arg11[%swap3A_508, %swap3A_509], %add3A_506 {strides = array<i32>} : memref<4x128xi32, #tpu.memory_space<vmem>>, vector<16xi32>,
      %get3A_511 = arith.constant 224 : index
      %get3A_512 = tpu.vector_load %arg14[%get3A_511] {strides = array<i32>} : memref<512xi32, #tpu.memory_space<vmem>>, vector<16xi32>,
      %get3A_513 = arith.constant 224 : index
      %get3A_514 = tpu.vector_load %arg10[%get3A_513] {strides = array<i32>} : memref<512xi32, #tpu.memory_space<vmem>>, vector<16xi32>,
      %sub3A_515 = arith.subi %get3A_512, %gather3A : vector<16xi32>
      %add3A_516 = arith.constant 32 : i32
      %add3A_517 = vector.broadcast %add3A_516 : i32 to vector<16xi32>
      %add3A_518 = arith.addi %sub3A_515, %add3A_517 : vector<16xi32>
      %jit3A_519 = arith.constant 0 : i32
      %jit3A_520 = arith.constant 64 : i32
      %max3A_521 = vector.broadcast %jit3A_519 : i32 to vector<16xi32>
      %max3A_522 = arith.maxsi %max3A_521, %add3A_518 : vector<16xi32>
      %min3A_523 = vector.broadcast %jit3A_520 : i32 to vector<16xi32>
      %min3A_524 = arith.minsi %min3A_523, %max3A_522 : vector<16xi32>
      %sub3A_525 = arith.subi %get3A_514, %gather3A_66 : vector<16xi32>
      %add3A_526 = arith.constant 2 : i32
      %add3A_527 = vector.broadcast %add3A_526 : i32 to vector<16xi32>
      %add3A_528 = arith.addi %sub3A_525, %add3A_527 : vector<16xi32>
      %jit3A_529 = arith.constant 0 : i32
      %jit3A_530 = arith.constant 4 : i32
      %max3A_531 = vector.broadcast %jit3A_529 : i32 to vector<16xi32>
      %max3A_532 = arith.maxsi %max3A_531, %add3A_528 : vector<16xi32>
      %min3A_533 = vector.broadcast %jit3A_530 : i32 to vector<16xi32>
      %min3A_534 = arith.minsi %min3A_533, %max3A_532 : vector<16xi32>
      %mul3A_535 = arith.constant 5 : i32
      %mul3A_536 = vector.broadcast %mul3A_535 : i32 to vector<16xi32>
      %mul3A_537 = arith.muli %min3A_524, %mul3A_536 : vector<16xi32>
      %add3A_538 = arith.addi %mul3A_537, %min3A_534 : vector<16xi32>
      %swap3A_539 = arith.constant 1 : i32
      %swap3A_540 = arith.index_cast %swap3A_539 : i32 to index
      %swap3A_541 = arith.constant 96 : index
      %swap3A_542 = tpu.vector_load %arg11[%swap3A_540, %swap3A_541] {strides = array<i32>} : memref<4x128xi32, #tpu.memory_space<vmem>>, vector<16xi32>,
      tpu.vector_store %arg11[%swap3A_540, %swap3A_541], %add3A_538 {strides = array<i32>} : memref<4x128xi32, #tpu.memory_space<vmem>>, vector<16xi32>,
      %get3A_543 = arith.constant 240 : index
      %get3A_544 = tpu.vector_load %arg14[%get3A_543] {strides = array<i32>} : memref<512xi32, #tpu.memory_space<vmem>>, vector<16xi32>,
      %get3A_545 = arith.constant 240 : index
      %get3A_546 = tpu.vector_load %arg10[%get3A_545] {strides = array<i32>} : memref<512xi32, #tpu.memory_space<vmem>>, vector<16xi32>,
      %sub3A_547 = arith.subi %get3A_544, %gather3A : vector<16xi32>
      %add3A_548 = arith.constant 32 : i32
      %add3A_549 = vector.broadcast %add3A_548 : i32 to vector<16xi32>
      %add3A_550 = arith.addi %sub3A_547, %add3A_549 : vector<16xi32>
      %jit3A_551 = arith.constant 0 : i32
      %jit3A_552 = arith.constant 64 : i32
      %max3A_553 = vector.broadcast %jit3A_551 : i32 to vector<16xi32>
      %max3A_554 = arith.maxsi %max3A_553, %add3A_550 : vector<16xi32>
      %min3A_555 = vector.broadcast %jit3A_552 : i32 to vector<16xi32>
      %min3A_556 = arith.minsi %min3A_555, %max3A_554 : vector<16xi32>
      %sub3A_557 = arith.subi %get3A_546, %gather3A_66 : vector<16xi32>
      %add3A_558 = arith.constant 2 : i32
      %add3A_559 = vector.broadcast %add3A_558 : i32 to vector<16xi32>
      %add3A_560 = arith.addi %sub3A_557, %add3A_559 : vector<16xi32>
      %jit3A_561 = arith.constant 0 : i32
      %jit3A_562 = arith.constant 4 : i32
      %max3A_563 = vector.broadcast %jit3A_561 : i32 to vector<16xi32>
      %max3A_564 = arith.maxsi %max3A_563, %add3A_560 : vector<16xi32>
      %min3A_565 = vector.broadcast %jit3A_562 : i32 to vector<16xi32>
      %min3A_566 = arith.minsi %min3A_565, %max3A_564 : vector<16xi32>
      %mul3A_567 = arith.constant 5 : i32
      %mul3A_568 = vector.broadcast %mul3A_567 : i32 to vector<16xi32>
      %mul3A_569 = arith.muli %min3A_556, %mul3A_568 : vector<16xi32>
      %add3A_570 = arith.addi %mul3A_569, %min3A_566 : vector<16xi32>
      %swap3A_571 = arith.constant 1 : i32
      %swap3A_572 = arith.index_cast %swap3A_571 : i32 to index
      %swap3A_573 = arith.constant 112 : index
      %swap3A_574 = tpu.vector_load %arg11[%swap3A_572, %swap3A_573] {strides = array<i32>} : memref<4x128xi32, #tpu.memory_space<vmem>>, vector<16xi32>,
      tpu.vector_store %arg11[%swap3A_572, %swap3A_573], %add3A_570 {strides = array<i32>} : memref<4x128xi32, #tpu.memory_space<vmem>>, vector<16xi32>,
      %get3A_575 = arith.constant 256 : index
      %get3A_576 = tpu.vector_load %arg14[%get3A_575] {strides = array<i32>} : memref<512xi32, #tpu.memory_space<vmem>>, vector<16xi32>,
      %get3A_577 = arith.constant 256 : index
      %get3A_578 = tpu.vector_load %arg10[%get3A_577] {strides = array<i32>} : memref<512xi32, #tpu.memory_space<vmem>>, vector<16xi32>,
      %sub3A_579 = arith.subi %get3A_576, %gather3A : vector<16xi32>
      %add3A_580 = arith.constant 32 : i32
      %add3A_581 = vector.broadcast %add3A_580 : i32 to vector<16xi32>
      %add3A_582 = arith.addi %sub3A_579, %add3A_581 : vector<16xi32>
      %jit3A_583 = arith.constant 0 : i32
      %jit3A_584 = arith.constant 64 : i32
      %max3A_585 = vector.broadcast %jit3A_583 : i32 to vector<16xi32>
      %max3A_586 = arith.maxsi %max3A_585, %add3A_582 : vector<16xi32>
      %min3A_587 = vector.broadcast %jit3A_584 : i32 to vector<16xi32>
      %min3A_588 = arith.minsi %min3A_587, %max3A_586 : vector<16xi32>
      %sub3A_589 = arith.subi %get3A_578, %gather3A_66 : vector<16xi32>
      %add3A_590 = arith.constant 2 : i32
      %add3A_591 = vector.broadcast %add3A_590 : i32 to vector<16xi32>
      %add3A_592 = arith.addi %sub3A_589, %add3A_591 : vector<16xi32>
      %jit3A_593 = arith.constant 0 : i32
      %jit3A_594 = arith.constant 4 : i32
      %max3A_595 = vector.broadcast %jit3A_593 : i32 to vector<16xi32>
      %max3A_596 = arith.maxsi %max3A_595, %add3A_592 : vector<16xi32>
      %min3A_597 = vector.broadcast %jit3A_594 : i32 to vector<16xi32>
      %min3A_598 = arith.minsi %min3A_597, %max3A_596 : vector<16xi32>
      %mul3A_599 = arith.constant 5 : i32
      %mul3A_600 = vector.broadcast %mul3A_599 : i32 to vector<16xi32>
      %mul3A_601 = arith.muli %min3A_588, %mul3A_600 : vector<16xi32>
      %add3A_602 = arith.addi %mul3A_601, %min3A_598 : vector<16xi32>
      %swap3A_603 = arith.constant 2 : i32
      %swap3A_604 = arith.index_cast %swap3A_603 : i32 to index
      %swap3A_605 = arith.constant 0 : index
      %swap3A_606 = tpu.vector_load %arg11[%swap3A_604, %swap3A_605] {strides = array<i32>} : memref<4x128xi32, #tpu.memory_space<vmem>>, vector<16xi32>,
      tpu.vector_store %arg11[%swap3A_604, %swap3A_605], %add3A_602 {strides = array<i32>} : memref<4x128xi32, #tpu.memory_space<vmem>>, vector<16xi32>,
      %get3A_607 = arith.constant 272 : index
      %get3A_608 = tpu.vector_load %arg14[%get3A_607] {strides = array<i32>} : memref<512xi32, #tpu.memory_space<vmem>>, vector<16xi32>,
      %get3A_609 = arith.constant 272 : index
      %get3A_610 = tpu.vector_load %arg10[%get3A_609] {strides = array<i32>} : memref<512xi32, #tpu.memory_space<vmem>>, vector<16xi32>,
      %sub3A_611 = arith.subi %get3A_608, %gather3A : vector<16xi32>
      %add3A_612 = arith.constant 32 : i32
      %add3A_613 = vector.broadcast %add3A_612 : i32 to vector<16xi32>
      %add3A_614 = arith.addi %sub3A_611, %add3A_613 : vector<16xi32>
      %jit3A_615 = arith.constant 0 : i32
      %jit3A_616 = arith.constant 64 : i32
      %max3A_617 = vector.broadcast %jit3A_615 : i32 to vector<16xi32>
      %max3A_618 = arith.maxsi %max3A_617, %add3A_614 : vector<16xi32>
      %min3A_619 = vector.broadcast %jit3A_616 : i32 to vector<16xi32>
      %min3A_620 = arith.minsi %min3A_619, %max3A_618 : vector<16xi32>
      %sub3A_621 = arith.subi %get3A_610, %gather3A_66 : vector<16xi32>
      %add3A_622 = arith.constant 2 : i32
      %add3A_623 = vector.broadcast %add3A_622 : i32 to vector<16xi32>
      %add3A_624 = arith.addi %sub3A_621, %add3A_623 : vector<16xi32>
      %jit3A_625 = arith.constant 0 : i32
      %jit3A_626 = arith.constant 4 : i32
      %max3A_627 = vector.broadcast %jit3A_625 : i32 to vector<16xi32>
      %max3A_628 = arith.maxsi %max3A_627, %add3A_624 : vector<16xi32>
      %min3A_629 = vector.broadcast %jit3A_626 : i32 to vector<16xi32>
      %min3A_630 = arith.minsi %min3A_629, %max3A_628 : vector<16xi32>
      %mul3A_631 = arith.constant 5 : i32
      %mul3A_632 = vector.broadcast %mul3A_631 : i32 to vector<16xi32>
      %mul3A_633 = arith.muli %min3A_620, %mul3A_632 : vector<16xi32>
      %add3A_634 = arith.addi %mul3A_633, %min3A_630 : vector<16xi32>
      %swap3A_635 = arith.constant 2 : i32
      %swap3A_636 = arith.index_cast %swap3A_635 : i32 to index
      %swap3A_637 = arith.constant 16 : index
      %swap3A_638 = tpu.vector_load %arg11[%swap3A_636, %swap3A_637] {strides = array<i32>} : memref<4x128xi32, #tpu.memory_space<vmem>>, vector<16xi32>,
      tpu.vector_store %arg11[%swap3A_636, %swap3A_637], %add3A_634 {strides = array<i32>} : memref<4x128xi32, #tpu.memory_space<vmem>>, vector<16xi32>,
      %get3A_639 = arith.constant 288 : index
      %get3A_640 = tpu.vector_load %arg14[%get3A_639] {strides = array<i32>} : memref<512xi32, #tpu.memory_space<vmem>>, vector<16xi32>,
      %get3A_641 = arith.constant 288 : index
      %get3A_642 = tpu.vector_load %arg10[%get3A_641] {strides = array<i32>} : memref<512xi32, #tpu.memory_space<vmem>>, vector<16xi32>,
      %sub3A_643 = arith.subi %get3A_640, %gather3A : vector<16xi32>
      %add3A_644 = arith.constant 32 : i32
      %add3A_645 = vector.broadcast %add3A_644 : i32 to vector<16xi32>
      %add3A_646 = arith.addi %sub3A_643, %add3A_645 : vector<16xi32>
      %jit3A_647 = arith.constant 0 : i32
      %jit3A_648 = arith.constant 64 : i32
      %max3A_649 = vector.broadcast %jit3A_647 : i32 to vector<16xi32>
      %max3A_650 = arith.maxsi %max3A_649, %add3A_646 : vector<16xi32>
      %min3A_651 = vector.broadcast %jit3A_648 : i32 to vector<16xi32>
      %min3A_652 = arith.minsi %min3A_651, %max3A_650 : vector<16xi32>
      %sub3A_653 = arith.subi %get3A_642, %gather3A_66 : vector<16xi32>
      %add3A_654 = arith.constant 2 : i32
      %add3A_655 = vector.broadcast %add3A_654 : i32 to vector<16xi32>
      %add3A_656 = arith.addi %sub3A_653, %add3A_655 : vector<16xi32>
      %jit3A_657 = arith.constant 0 : i32
      %jit3A_658 = arith.constant 4 : i32
      %max3A_659 = vector.broadcast %jit3A_657 : i32 to vector<16xi32>
      %max3A_660 = arith.maxsi %max3A_659, %add3A_656 : vector<16xi32>
      %min3A_661 = vector.broadcast %jit3A_658 : i32 to vector<16xi32>
      %min3A_662 = arith.minsi %min3A_661, %max3A_660 : vector<16xi32>
      %mul3A_663 = arith.constant 5 : i32
      %mul3A_664 = vector.broadcast %mul3A_663 : i32 to vector<16xi32>
      %mul3A_665 = arith.muli %min3A_652, %mul3A_664 : vector<16xi32>
      %add3A_666 = arith.addi %mul3A_665, %min3A_662 : vector<16xi32>
      %swap3A_667 = arith.constant 2 : i32
      %swap3A_668 = arith.index_cast %swap3A_667 : i32 to index
      %swap3A_669 = arith.constant 32 : index
      %swap3A_670 = tpu.vector_load %arg11[%swap3A_668, %swap3A_669] {strides = array<i32>} : memref<4x128xi32, #tpu.memory_space<vmem>>, vector<16xi32>,
      tpu.vector_store %arg11[%swap3A_668, %swap3A_669], %add3A_666 {strides = array<i32>} : memref<4x128xi32, #tpu.memory_space<vmem>>, vector<16xi32>,
      %get3A_671 = arith.constant 304 : index
      %get3A_672 = tpu.vector_load %arg14[%get3A_671] {strides = array<i32>} : memref<512xi32, #tpu.memory_space<vmem>>, vector<16xi32>,
      %get3A_673 = arith.constant 304 : index
      %get3A_674 = tpu.vector_load %arg10[%get3A_673] {strides = array<i32>} : memref<512xi32, #tpu.memory_space<vmem>>, vector<16xi32>,
      %sub3A_675 = arith.subi %get3A_672, %gather3A : vector<16xi32>
      %add3A_676 = arith.constant 32 : i32
      %add3A_677 = vector.broadcast %add3A_676 : i32 to vector<16xi32>
      %add3A_678 = arith.addi %sub3A_675, %add3A_677 : vector<16xi32>
      %jit3A_679 = arith.constant 0 : i32
      %jit3A_680 = arith.constant 64 : i32
      %max3A_681 = vector.broadcast %jit3A_679 : i32 to vector<16xi32>
      %max3A_682 = arith.maxsi %max3A_681, %add3A_678 : vector<16xi32>
      %min3A_683 = vector.broadcast %jit3A_680 : i32 to vector<16xi32>
      %min3A_684 = arith.minsi %min3A_683, %max3A_682 : vector<16xi32>
      %sub3A_685 = arith.subi %get3A_674, %gather3A_66 : vector<16xi32>
      %add3A_686 = arith.constant 2 : i32
      %add3A_687 = vector.broadcast %add3A_686 : i32 to vector<16xi32>
      %add3A_688 = arith.addi %sub3A_685, %add3A_687 : vector<16xi32>
      %jit3A_689 = arith.constant 0 : i32
      %jit3A_690 = arith.constant 4 : i32
      %max3A_691 = vector.broadcast %jit3A_689 : i32 to vector<16xi32>
      %max3A_692 = arith.maxsi %max3A_691, %add3A_688 : vector<16xi32>
      %min3A_693 = vector.broadcast %jit3A_690 : i32 to vector<16xi32>
      %min3A_694 = arith.minsi %min3A_693, %max3A_692 : vector<16xi32>
      %mul3A_695 = arith.constant 5 : i32
      %mul3A_696 = vector.broadcast %mul3A_695 : i32 to vector<16xi32>
      %mul3A_697 = arith.muli %min3A_684, %mul3A_696 : vector<16xi32>
      %add3A_698 = arith.addi %mul3A_697, %min3A_694 : vector<16xi32>
      %swap3A_699 = arith.constant 2 : i32
      %swap3A_700 = arith.index_cast %swap3A_699 : i32 to index
      %swap3A_701 = arith.constant 48 : index
      %swap3A_702 = tpu.vector_load %arg11[%swap3A_700, %swap3A_701] {strides = array<i32>} : memref<4x128xi32, #tpu.memory_space<vmem>>, vector<16xi32>,
      tpu.vector_store %arg11[%swap3A_700, %swap3A_701], %add3A_698 {strides = array<i32>} : memref<4x128xi32, #tpu.memory_space<vmem>>, vector<16xi32>,
      %get3A_703 = arith.constant 320 : index
      %get3A_704 = tpu.vector_load %arg14[%get3A_703] {strides = array<i32>} : memref<512xi32, #tpu.memory_space<vmem>>, vector<16xi32>,
      %get3A_705 = arith.constant 320 : index
      %get3A_706 = tpu.vector_load %arg10[%get3A_705] {strides = array<i32>} : memref<512xi32, #tpu.memory_space<vmem>>, vector<16xi32>,
      %sub3A_707 = arith.subi %get3A_704, %gather3A : vector<16xi32>
      %add3A_708 = arith.constant 32 : i32
      %add3A_709 = vector.broadcast %add3A_708 : i32 to vector<16xi32>
      %add3A_710 = arith.addi %sub3A_707, %add3A_709 : vector<16xi32>
      %jit3A_711 = arith.constant 0 : i32
      %jit3A_712 = arith.constant 64 : i32
      %max3A_713 = vector.broadcast %jit3A_711 : i32 to vector<16xi32>
      %max3A_714 = arith.maxsi %max3A_713, %add3A_710 : vector<16xi32>
      %min3A_715 = vector.broadcast %jit3A_712 : i32 to vector<16xi32>
      %min3A_716 = arith.minsi %min3A_715, %max3A_714 : vector<16xi32>
      %sub3A_717 = arith.subi %get3A_706, %gather3A_66 : vector<16xi32>
      %add3A_718 = arith.constant 2 : i32
      %add3A_719 = vector.broadcast %add3A_718 : i32 to vector<16xi32>
      %add3A_720 = arith.addi %sub3A_717, %add3A_719 : vector<16xi32>
      %jit3A_721 = arith.constant 0 : i32
      %jit3A_722 = arith.constant 4 : i32
      %max3A_723 = vector.broadcast %jit3A_721 : i32 to vector<16xi32>
      %max3A_724 = arith.maxsi %max3A_723, %add3A_720 : vector<16xi32>
      %min3A_725 = vector.broadcast %jit3A_722 : i32 to vector<16xi32>
      %min3A_726 = arith.minsi %min3A_725, %max3A_724 : vector<16xi32>
      %mul3A_727 = arith.constant 5 : i32
      %mul3A_728 = vector.broadcast %mul3A_727 : i32 to vector<16xi32>
      %mul3A_729 = arith.muli %min3A_716, %mul3A_728 : vector<16xi32>
      %add3A_730 = arith.addi %mul3A_729, %min3A_726 : vector<16xi32>
      %swap3A_731 = arith.constant 2 : i32
      %swap3A_732 = arith.index_cast %swap3A_731 : i32 to index
      %swap3A_733 = arith.constant 64 : index
      %swap3A_734 = tpu.vector_load %arg11[%swap3A_732, %swap3A_733] {strides = array<i32>} : memref<4x128xi32, #tpu.memory_space<vmem>>, vector<16xi32>,
      tpu.vector_store %arg11[%swap3A_732, %swap3A_733], %add3A_730 {strides = array<i32>} : memref<4x128xi32, #tpu.memory_space<vmem>>, vector<16xi32>,
      %get3A_735 = arith.constant 336 : index
      %get3A_736 = tpu.vector_load %arg14[%get3A_735] {strides = array<i32>} : memref<512xi32, #tpu.memory_space<vmem>>, vector<16xi32>,
      %get3A_737 = arith.constant 336 : index
      %get3A_738 = tpu.vector_load %arg10[%get3A_737] {strides = array<i32>} : memref<512xi32, #tpu.memory_space<vmem>>, vector<16xi32>,
      %sub3A_739 = arith.subi %get3A_736, %gather3A : vector<16xi32>
      %add3A_740 = arith.constant 32 : i32
      %add3A_741 = vector.broadcast %add3A_740 : i32 to vector<16xi32>
      %add3A_742 = arith.addi %sub3A_739, %add3A_741 : vector<16xi32>
      %jit3A_743 = arith.constant 0 : i32
      %jit3A_744 = arith.constant 64 : i32
      %max3A_745 = vector.broadcast %jit3A_743 : i32 to vector<16xi32>
      %max3A_746 = arith.maxsi %max3A_745, %add3A_742 : vector<16xi32>
      %min3A_747 = vector.broadcast %jit3A_744 : i32 to vector<16xi32>
      %min3A_748 = arith.minsi %min3A_747, %max3A_746 : vector<16xi32>
      %sub3A_749 = arith.subi %get3A_738, %gather3A_66 : vector<16xi32>
      %add3A_750 = arith.constant 2 : i32
      %add3A_751 = vector.broadcast %add3A_750 : i32 to vector<16xi32>
      %add3A_752 = arith.addi %sub3A_749, %add3A_751 : vector<16xi32>
      %jit3A_753 = arith.constant 0 : i32
      %jit3A_754 = arith.constant 4 : i32
      %max3A_755 = vector.broadcast %jit3A_753 : i32 to vector<16xi32>
      %max3A_756 = arith.maxsi %max3A_755, %add3A_752 : vector<16xi32>
      %min3A_757 = vector.broadcast %jit3A_754 : i32 to vector<16xi32>
      %min3A_758 = arith.minsi %min3A_757, %max3A_756 : vector<16xi32>
      %mul3A_759 = arith.constant 5 : i32
      %mul3A_760 = vector.broadcast %mul3A_759 : i32 to vector<16xi32>
      %mul3A_761 = arith.muli %min3A_748, %mul3A_760 : vector<16xi32>
      %add3A_762 = arith.addi %mul3A_761, %min3A_758 : vector<16xi32>
      %swap3A_763 = arith.constant 2 : i32
      %swap3A_764 = arith.index_cast %swap3A_763 : i32 to index
      %swap3A_765 = arith.constant 80 : index
      %swap3A_766 = tpu.vector_load %arg11[%swap3A_764, %swap3A_765] {strides = array<i32>} : memref<4x128xi32, #tpu.memory_space<vmem>>, vector<16xi32>,
      tpu.vector_store %arg11[%swap3A_764, %swap3A_765], %add3A_762 {strides = array<i32>} : memref<4x128xi32, #tpu.memory_space<vmem>>, vector<16xi32>,
      %get3A_767 = arith.constant 352 : index
      %get3A_768 = tpu.vector_load %arg14[%get3A_767] {strides = array<i32>} : memref<512xi32, #tpu.memory_space<vmem>>, vector<16xi32>,
      %get3A_769 = arith.constant 352 : index
      %get3A_770 = tpu.vector_load %arg10[%get3A_769] {strides = array<i32>} : memref<512xi32, #tpu.memory_space<vmem>>, vector<16xi32>,
      %sub3A_771 = arith.subi %get3A_768, %gather3A : vector<16xi32>
      %add3A_772 = arith.constant 32 : i32
      %add3A_773 = vector.broadcast %add3A_772 : i32 to vector<16xi32>
      %add3A_774 = arith.addi %sub3A_771, %add3A_773 : vector<16xi32>
      %jit3A_775 = arith.constant 0 : i32
      %jit3A_776 = arith.constant 64 : i32
      %max3A_777 = vector.broadcast %jit3A_775 : i32 to vector<16xi32>
      %max3A_778 = arith.maxsi %max3A_777, %add3A_774 : vector<16xi32>
      %min3A_779 = vector.broadcast %jit3A_776 : i32 to vector<16xi32>
      %min3A_780 = arith.minsi %min3A_779, %max3A_778 : vector<16xi32>
      %sub3A_781 = arith.subi %get3A_770, %gather3A_66 : vector<16xi32>
      %add3A_782 = arith.constant 2 : i32
      %add3A_783 = vector.broadcast %add3A_782 : i32 to vector<16xi32>
      %add3A_784 = arith.addi %sub3A_781, %add3A_783 : vector<16xi32>
      %jit3A_785 = arith.constant 0 : i32
      %jit3A_786 = arith.constant 4 : i32
      %max3A_787 = vector.broadcast %jit3A_785 : i32 to vector<16xi32>
      %max3A_788 = arith.maxsi %max3A_787, %add3A_784 : vector<16xi32>
      %min3A_789 = vector.broadcast %jit3A_786 : i32 to vector<16xi32>
      %min3A_790 = arith.minsi %min3A_789, %max3A_788 : vector<16xi32>
      %mul3A_791 = arith.constant 5 : i32
      %mul3A_792 = vector.broadcast %mul3A_791 : i32 to vector<16xi32>
      %mul3A_793 = arith.muli %min3A_780, %mul3A_792 : vector<16xi32>
      %add3A_794 = arith.addi %mul3A_793, %min3A_790 : vector<16xi32>
      %swap3A_795 = arith.constant 2 : i32
      %swap3A_796 = arith.index_cast %swap3A_795 : i32 to index
      %swap3A_797 = arith.constant 96 : index
      %swap3A_798 = tpu.vector_load %arg11[%swap3A_796, %swap3A_797] {strides = array<i32>} : memref<4x128xi32, #tpu.memory_space<vmem>>, vector<16xi32>,
      tpu.vector_store %arg11[%swap3A_796, %swap3A_797], %add3A_794 {strides = array<i32>} : memref<4x128xi32, #tpu.memory_space<vmem>>, vector<16xi32>,
      %get3A_799 = arith.constant 368 : index
      %get3A_800 = tpu.vector_load %arg14[%get3A_799] {strides = array<i32>} : memref<512xi32, #tpu.memory_space<vmem>>, vector<16xi32>,
      %get3A_801 = arith.constant 368 : index
      %get3A_802 = tpu.vector_load %arg10[%get3A_801] {strides = array<i32>} : memref<512xi32, #tpu.memory_space<vmem>>, vector<16xi32>,
      %sub3A_803 = arith.subi %get3A_800, %gather3A : vector<16xi32>
      %add3A_804 = arith.constant 32 : i32
      %add3A_805 = vector.broadcast %add3A_804 : i32 to vector<16xi32>
      %add3A_806 = arith.addi %sub3A_803, %add3A_805 : vector<16xi32>
      %jit3A_807 = arith.constant 0 : i32
      %jit3A_808 = arith.constant 64 : i32
      %max3A_809 = vector.broadcast %jit3A_807 : i32 to vector<16xi32>
      %max3A_810 = arith.maxsi %max3A_809, %add3A_806 : vector<16xi32>
      %min3A_811 = vector.broadcast %jit3A_808 : i32 to vector<16xi32>
      %min3A_812 = arith.minsi %min3A_811, %max3A_810 : vector<16xi32>
      %sub3A_813 = arith.subi %get3A_802, %gather3A_66 : vector<16xi32>
      %add3A_814 = arith.constant 2 : i32
      %add3A_815 = vector.broadcast %add3A_814 : i32 to vector<16xi32>
      %add3A_816 = arith.addi %sub3A_813, %add3A_815 : vector<16xi32>
      %jit3A_817 = arith.constant 0 : i32
      %jit3A_818 = arith.constant 4 : i32
      %max3A_819 = vector.broadcast %jit3A_817 : i32 to vector<16xi32>
      %max3A_820 = arith.maxsi %max3A_819, %add3A_816 : vector<16xi32>
      %min3A_821 = vector.broadcast %jit3A_818 : i32 to vector<16xi32>
      %min3A_822 = arith.minsi %min3A_821, %max3A_820 : vector<16xi32>
      %mul3A_823 = arith.constant 5 : i32
      %mul3A_824 = vector.broadcast %mul3A_823 : i32 to vector<16xi32>
      %mul3A_825 = arith.muli %min3A_812, %mul3A_824 : vector<16xi32>
      %add3A_826 = arith.addi %mul3A_825, %min3A_822 : vector<16xi32>
      %swap3A_827 = arith.constant 2 : i32
      %swap3A_828 = arith.index_cast %swap3A_827 : i32 to index
      %swap3A_829 = arith.constant 112 : index
      %swap3A_830 = tpu.vector_load %arg11[%swap3A_828, %swap3A_829] {strides = array<i32>} : memref<4x128xi32, #tpu.memory_space<vmem>>, vector<16xi32>,
      tpu.vector_store %arg11[%swap3A_828, %swap3A_829], %add3A_826 {strides = array<i32>} : memref<4x128xi32, #tpu.memory_space<vmem>>, vector<16xi32>,
      %get3A_831 = arith.constant 384 : index
      %get3A_832 = tpu.vector_load %arg14[%get3A_831] {strides = array<i32>} : memref<512xi32, #tpu.memory_space<vmem>>, vector<16xi32>,
      %get3A_833 = arith.constant 384 : index
      %get3A_834 = tpu.vector_load %arg10[%get3A_833] {strides = array<i32>} : memref<512xi32, #tpu.memory_space<vmem>>, vector<16xi32>,
      %sub3A_835 = arith.subi %get3A_832, %gather3A : vector<16xi32>
      %add3A_836 = arith.constant 32 : i32
      %add3A_837 = vector.broadcast %add3A_836 : i32 to vector<16xi32>
      %add3A_838 = arith.addi %sub3A_835, %add3A_837 : vector<16xi32>
      %jit3A_839 = arith.constant 0 : i32
      %jit3A_840 = arith.constant 64 : i32
      %max3A_841 = vector.broadcast %jit3A_839 : i32 to vector<16xi32>
      %max3A_842 = arith.maxsi %max3A_841, %add3A_838 : vector<16xi32>
      %min3A_843 = vector.broadcast %jit3A_840 : i32 to vector<16xi32>
      %min3A_844 = arith.minsi %min3A_843, %max3A_842 : vector<16xi32>
      %sub3A_845 = arith.subi %get3A_834, %gather3A_66 : vector<16xi32>
      %add3A_846 = arith.constant 2 : i32
      %add3A_847 = vector.broadcast %add3A_846 : i32 to vector<16xi32>
      %add3A_848 = arith.addi %sub3A_845, %add3A_847 : vector<16xi32>
      %jit3A_849 = arith.constant 0 : i32
      %jit3A_850 = arith.constant 4 : i32
      %max3A_851 = vector.broadcast %jit3A_849 : i32 to vector<16xi32>
      %max3A_852 = arith.maxsi %max3A_851, %add3A_848 : vector<16xi32>
      %min3A_853 = vector.broadcast %jit3A_850 : i32 to vector<16xi32>
      %min3A_854 = arith.minsi %min3A_853, %max3A_852 : vector<16xi32>
      %mul3A_855 = arith.constant 5 : i32
      %mul3A_856 = vector.broadcast %mul3A_855 : i32 to vector<16xi32>
      %mul3A_857 = arith.muli %min3A_844, %mul3A_856 : vector<16xi32>
      %add3A_858 = arith.addi %mul3A_857, %min3A_854 : vector<16xi32>
      %swap3A_859 = arith.constant 3 : i32
      %swap3A_860 = arith.index_cast %swap3A_859 : i32 to index
      %swap3A_861 = arith.constant 0 : index
      %swap3A_862 = tpu.vector_load %arg11[%swap3A_860, %swap3A_861] {strides = array<i32>} : memref<4x128xi32, #tpu.memory_space<vmem>>, vector<16xi32>,
      tpu.vector_store %arg11[%swap3A_860, %swap3A_861], %add3A_858 {strides = array<i32>} : memref<4x128xi32, #tpu.memory_space<vmem>>, vector<16xi32>,
      %get3A_863 = arith.constant 400 : index
      %get3A_864 = tpu.vector_load %arg14[%get3A_863] {strides = array<i32>} : memref<512xi32, #tpu.memory_space<vmem>>, vector<16xi32>,
      %get3A_865 = arith.constant 400 : index
      %get3A_866 = tpu.vector_load %arg10[%get3A_865] {strides = array<i32>} : memref<512xi32, #tpu.memory_space<vmem>>, vector<16xi32>,
      %sub3A_867 = arith.subi %get3A_864, %gather3A : vector<16xi32>
      %add3A_868 = arith.constant 32 : i32
      %add3A_869 = vector.broadcast %add3A_868 : i32 to vector<16xi32>
      %add3A_870 = arith.addi %sub3A_867, %add3A_869 : vector<16xi32>
      %jit3A_871 = arith.constant 0 : i32
      %jit3A_872 = arith.constant 64 : i32
      %max3A_873 = vector.broadcast %jit3A_871 : i32 to vector<16xi32>
      %max3A_874 = arith.maxsi %max3A_873, %add3A_870 : vector<16xi32>
      %min3A_875 = vector.broadcast %jit3A_872 : i32 to vector<16xi32>
      %min3A_876 = arith.minsi %min3A_875, %max3A_874 : vector<16xi32>
      %sub3A_877 = arith.subi %get3A_866, %gather3A_66 : vector<16xi32>
      %add3A_878 = arith.constant 2 : i32
      %add3A_879 = vector.broadcast %add3A_878 : i32 to vector<16xi32>
      %add3A_880 = arith.addi %sub3A_877, %add3A_879 : vector<16xi32>
      %jit3A_881 = arith.constant 0 : i32
      %jit3A_882 = arith.constant 4 : i32
      %max3A_883 = vector.broadcast %jit3A_881 : i32 to vector<16xi32>
      %max3A_884 = arith.maxsi %max3A_883, %add3A_880 : vector<16xi32>
      %min3A_885 = vector.broadcast %jit3A_882 : i32 to vector<16xi32>
      %min3A_886 = arith.minsi %min3A_885, %max3A_884 : vector<16xi32>
      %mul3A_887 = arith.constant 5 : i32
      %mul3A_888 = vector.broadcast %mul3A_887 : i32 to vector<16xi32>
      %mul3A_889 = arith.muli %min3A_876, %mul3A_888 : vector<16xi32>
      %add3A_890 = arith.addi %mul3A_889, %min3A_886 : vector<16xi32>
      %swap3A_891 = arith.constant 3 : i32
      %swap3A_892 = arith.index_cast %swap3A_891 : i32 to index
      %swap3A_893 = arith.constant 16 : index
      %swap3A_894 = tpu.vector_load %arg11[%swap3A_892, %swap3A_893] {strides = array<i32>} : memref<4x128xi32, #tpu.memory_space<vmem>>, vector<16xi32>,
      tpu.vector_store %arg11[%swap3A_892, %swap3A_893], %add3A_890 {strides = array<i32>} : memref<4x128xi32, #tpu.memory_space<vmem>>, vector<16xi32>,
      %get3A_895 = arith.constant 416 : index
      %get3A_896 = tpu.vector_load %arg14[%get3A_895] {strides = array<i32>} : memref<512xi32, #tpu.memory_space<vmem>>, vector<16xi32>,
      %get3A_897 = arith.constant 416 : index
      %get3A_898 = tpu.vector_load %arg10[%get3A_897] {strides = array<i32>} : memref<512xi32, #tpu.memory_space<vmem>>, vector<16xi32>,
      %sub3A_899 = arith.subi %get3A_896, %gather3A : vector<16xi32>
      %add3A_900 = arith.constant 32 : i32
      %add3A_901 = vector.broadcast %add3A_900 : i32 to vector<16xi32>
      %add3A_902 = arith.addi %sub3A_899, %add3A_901 : vector<16xi32>
      %jit3A_903 = arith.constant 0 : i32
      %jit3A_904 = arith.constant 64 : i32
      %max3A_905 = vector.broadcast %jit3A_903 : i32 to vector<16xi32>
      %max3A_906 = arith.maxsi %max3A_905, %add3A_902 : vector<16xi32>
      %min3A_907 = vector.broadcast %jit3A_904 : i32 to vector<16xi32>
      %min3A_908 = arith.minsi %min3A_907, %max3A_906 : vector<16xi32>
      %sub3A_909 = arith.subi %get3A_898, %gather3A_66 : vector<16xi32>
      %add3A_910 = arith.constant 2 : i32
      %add3A_911 = vector.broadcast %add3A_910 : i32 to vector<16xi32>
      %add3A_912 = arith.addi %sub3A_909, %add3A_911 : vector<16xi32>
      %jit3A_913 = arith.constant 0 : i32
      %jit3A_914 = arith.constant 4 : i32
      %max3A_915 = vector.broadcast %jit3A_913 : i32 to vector<16xi32>
      %max3A_916 = arith.maxsi %max3A_915, %add3A_912 : vector<16xi32>
      %min3A_917 = vector.broadcast %jit3A_914 : i32 to vector<16xi32>
      %min3A_918 = arith.minsi %min3A_917, %max3A_916 : vector<16xi32>
      %mul3A_919 = arith.constant 5 : i32
      %mul3A_920 = vector.broadcast %mul3A_919 : i32 to vector<16xi32>
      %mul3A_921 = arith.muli %min3A_908, %mul3A_920 : vector<16xi32>
      %add3A_922 = arith.addi %mul3A_921, %min3A_918 : vector<16xi32>
      %swap3A_923 = arith.constant 3 : i32
      %swap3A_924 = arith.index_cast %swap3A_923 : i32 to index
      %swap3A_925 = arith.constant 32 : index
      %swap3A_926 = tpu.vector_load %arg11[%swap3A_924, %swap3A_925] {strides = array<i32>} : memref<4x128xi32, #tpu.memory_space<vmem>>, vector<16xi32>,
      tpu.vector_store %arg11[%swap3A_924, %swap3A_925], %add3A_922 {strides = array<i32>} : memref<4x128xi32, #tpu.memory_space<vmem>>, vector<16xi32>,
      %get3A_927 = arith.constant 432 : index
      %get3A_928 = tpu.vector_load %arg14[%get3A_927] {strides = array<i32>} : memref<512xi32, #tpu.memory_space<vmem>>, vector<16xi32>,
      %get3A_929 = arith.constant 432 : index
      %get3A_930 = tpu.vector_load %arg10[%get3A_929] {strides = array<i32>} : memref<512xi32, #tpu.memory_space<vmem>>, vector<16xi32>,
      %sub3A_931 = arith.subi %get3A_928, %gather3A : vector<16xi32>
      %add3A_932 = arith.constant 32 : i32
      %add3A_933 = vector.broadcast %add3A_932 : i32 to vector<16xi32>
      %add3A_934 = arith.addi %sub3A_931, %add3A_933 : vector<16xi32>
      %jit3A_935 = arith.constant 0 : i32
      %jit3A_936 = arith.constant 64 : i32
      %max3A_937 = vector.broadcast %jit3A_935 : i32 to vector<16xi32>
      %max3A_938 = arith.maxsi %max3A_937, %add3A_934 : vector<16xi32>
      %min3A_939 = vector.broadcast %jit3A_936 : i32 to vector<16xi32>
      %min3A_940 = arith.minsi %min3A_939, %max3A_938 : vector<16xi32>
      %sub3A_941 = arith.subi %get3A_930, %gather3A_66 : vector<16xi32>
      %add3A_942 = arith.constant 2 : i32
      %add3A_943 = vector.broadcast %add3A_942 : i32 to vector<16xi32>
      %add3A_944 = arith.addi %sub3A_941, %add3A_943 : vector<16xi32>
      %jit3A_945 = arith.constant 0 : i32
      %jit3A_946 = arith.constant 4 : i32
      %max3A_947 = vector.broadcast %jit3A_945 : i32 to vector<16xi32>
      %max3A_948 = arith.maxsi %max3A_947, %add3A_944 : vector<16xi32>
      %min3A_949 = vector.broadcast %jit3A_946 : i32 to vector<16xi32>
      %min3A_950 = arith.minsi %min3A_949, %max3A_948 : vector<16xi32>
      %mul3A_951 = arith.constant 5 : i32
      %mul3A_952 = vector.broadcast %mul3A_951 : i32 to vector<16xi32>
      %mul3A_953 = arith.muli %min3A_940, %mul3A_952 : vector<16xi32>
      %add3A_954 = arith.addi %mul3A_953, %min3A_950 : vector<16xi32>
      %swap3A_955 = arith.constant 3 : i32
      %swap3A_956 = arith.index_cast %swap3A_955 : i32 to index
      %swap3A_957 = arith.constant 48 : index
      %swap3A_958 = tpu.vector_load %arg11[%swap3A_956, %swap3A_957] {strides = array<i32>} : memref<4x128xi32, #tpu.memory_space<vmem>>, vector<16xi32>,
      tpu.vector_store %arg11[%swap3A_956, %swap3A_957], %add3A_954 {strides = array<i32>} : memref<4x128xi32, #tpu.memory_space<vmem>>, vector<16xi32>,
      %get3A_959 = arith.constant 448 : index
      %get3A_960 = tpu.vector_load %arg14[%get3A_959] {strides = array<i32>} : memref<512xi32, #tpu.memory_space<vmem>>, vector<16xi32>,
      %get3A_961 = arith.constant 448 : index
      %get3A_962 = tpu.vector_load %arg10[%get3A_961] {strides = array<i32>} : memref<512xi32, #tpu.memory_space<vmem>>, vector<16xi32>,
      %sub3A_963 = arith.subi %get3A_960, %gather3A : vector<16xi32>
      %add3A_964 = arith.constant 32 : i32
      %add3A_965 = vector.broadcast %add3A_964 : i32 to vector<16xi32>
      %add3A_966 = arith.addi %sub3A_963, %add3A_965 : vector<16xi32>
      %jit3A_967 = arith.constant 0 : i32
      %jit3A_968 = arith.constant 64 : i32
      %max3A_969 = vector.broadcast %jit3A_967 : i32 to vector<16xi32>
      %max3A_970 = arith.maxsi %max3A_969, %add3A_966 : vector<16xi32>
      %min3A_971 = vector.broadcast %jit3A_968 : i32 to vector<16xi32>
      %min3A_972 = arith.minsi %min3A_971, %max3A_970 : vector<16xi32>
      %sub3A_973 = arith.subi %get3A_962, %gather3A_66 : vector<16xi32>
      %add3A_974 = arith.constant 2 : i32
      %add3A_975 = vector.broadcast %add3A_974 : i32 to vector<16xi32>
      %add3A_976 = arith.addi %sub3A_973, %add3A_975 : vector<16xi32>
      %jit3A_977 = arith.constant 0 : i32
      %jit3A_978 = arith.constant 4 : i32
      %max3A_979 = vector.broadcast %jit3A_977 : i32 to vector<16xi32>
      %max3A_980 = arith.maxsi %max3A_979, %add3A_976 : vector<16xi32>
      %min3A_981 = vector.broadcast %jit3A_978 : i32 to vector<16xi32>
      %min3A_982 = arith.minsi %min3A_981, %max3A_980 : vector<16xi32>
      %mul3A_983 = arith.constant 5 : i32
      %mul3A_984 = vector.broadcast %mul3A_983 : i32 to vector<16xi32>
      %mul3A_985 = arith.muli %min3A_972, %mul3A_984 : vector<16xi32>
      %add3A_986 = arith.addi %mul3A_985, %min3A_982 : vector<16xi32>
      %swap3A_987 = arith.constant 3 : i32
      %swap3A_988 = arith.index_cast %swap3A_987 : i32 to index
      %swap3A_989 = arith.constant 64 : index
      %swap3A_990 = tpu.vector_load %arg11[%swap3A_988, %swap3A_989] {strides = array<i32>} : memref<4x128xi32, #tpu.memory_space<vmem>>, vector<16xi32>,
      tpu.vector_store %arg11[%swap3A_988, %swap3A_989], %add3A_986 {strides = array<i32>} : memref<4x128xi32, #tpu.memory_space<vmem>>, vector<16xi32>,
      %get3A_991 = arith.constant 464 : index
      %get3A_992 = tpu.vector_load %arg14[%get3A_991] {strides = array<i32>} : memref<512xi32, #tpu.memory_space<vmem>>, vector<16xi32>,
      %get3A_993 = arith.constant 464 : index
      %get3A_994 = tpu.vector_load %arg10[%get3A_993] {strides = array<i32>} : memref<512xi32, #tpu.memory_space<vmem>>, vector<16xi32>,
      %sub3A_995 = arith.subi %get3A_992, %gather3A : vector<16xi32>
      %add3A_996 = arith.constant 32 : i32
      %add3A_997 = vector.broadcast %add3A_996 : i32 to vector<16xi32>
      %add3A_998 = arith.addi %sub3A_995, %add3A_997 : vector<16xi32>
      %jit3A_999 = arith.constant 0 : i32
      %jit3A_1000 = arith.constant 64 : i32
      %max3A_1001 = vector.broadcast %jit3A_999 : i32 to vector<16xi32>
      %max3A_1002 = arith.maxsi %max3A_1001, %add3A_998 : vector<16xi32>
      %min3A_1003 = vector.broadcast %jit3A_1000 : i32 to vector<16xi32>
      %min3A_1004 = arith.minsi %min3A_1003, %max3A_1002 : vector<16xi32>
      %sub3A_1005 = arith.subi %get3A_994, %gather3A_66 : vector<16xi32>
      %add3A_1006 = arith.constant 2 : i32
      %add3A_1007 = vector.broadcast %add3A_1006 : i32 to vector<16xi32>
      %add3A_1008 = arith.addi %sub3A_1005, %add3A_1007 : vector<16xi32>
      %jit3A_1009 = arith.constant 0 : i32
      %jit3A_1010 = arith.constant 4 : i32
      %max3A_1011 = vector.broadcast %jit3A_1009 : i32 to vector<16xi32>
      %max3A_1012 = arith.maxsi %max3A_1011, %add3A_1008 : vector<16xi32>
      %min3A_1013 = vector.broadcast %jit3A_1010 : i32 to vector<16xi32>
      %min3A_1014 = arith.minsi %min3A_1013, %max3A_1012 : vector<16xi32>
      %mul3A_1015 = arith.constant 5 : i32
      %mul3A_1016 = vector.broadcast %mul3A_1015 : i32 to vector<16xi32>
      %mul3A_1017 = arith.muli %min3A_1004, %mul3A_1016 : vector<16xi32>
      %add3A_1018 = arith.addi %mul3A_1017, %min3A_1014 : vector<16xi32>
      %swap3A_1019 = arith.constant 3 : i32
      %swap3A_1020 = arith.index_cast %swap3A_1019 : i32 to index
      %swap3A_1021 = arith.constant 80 : index
      %swap3A_1022 = tpu.vector_load %arg11[%swap3A_1020, %swap3A_1021] {strides = array<i32>} : memref<4x128xi32, #tpu.memory_space<vmem>>, vector<16xi32>,
      tpu.vector_store %arg11[%swap3A_1020, %swap3A_1021], %add3A_1018 {strides = array<i32>} : memref<4x128xi32, #tpu.memory_space<vmem>>, vector<16xi32>,
      %get3A_1023 = arith.constant 480 : index
      %get3A_1024 = tpu.vector_load %arg14[%get3A_1023] {strides = array<i32>} : memref<512xi32, #tpu.memory_space<vmem>>, vector<16xi32>,
      %get3A_1025 = arith.constant 480 : index
      %get3A_1026 = tpu.vector_load %arg10[%get3A_1025] {strides = array<i32>} : memref<512xi32, #tpu.memory_space<vmem>>, vector<16xi32>,
      %sub3A_1027 = arith.subi %get3A_1024, %gather3A : vector<16xi32>
      %add3A_1028 = arith.constant 32 : i32
      %add3A_1029 = vector.broadcast %add3A_1028 : i32 to vector<16xi32>
      %add3A_1030 = arith.addi %sub3A_1027, %add3A_1029 : vector<16xi32>
      %jit3A_1031 = arith.constant 0 : i32
      %jit3A_1032 = arith.constant 64 : i32
      %max3A_1033 = vector.broadcast %jit3A_1031 : i32 to vector<16xi32>
      %max3A_1034 = arith.maxsi %max3A_1033, %add3A_1030 : vector<16xi32>
      %min3A_1035 = vector.broadcast %jit3A_1032 : i32 to vector<16xi32>
      %min3A_1036 = arith.minsi %min3A_1035, %max3A_1034 : vector<16xi32>
      %sub3A_1037 = arith.subi %get3A_1026, %gather3A_66 : vector<16xi32>
      %add3A_1038 = arith.constant 2 : i32
      %add3A_1039 = vector.broadcast %add3A_1038 : i32 to vector<16xi32>
      %add3A_1040 = arith.addi %sub3A_1037, %add3A_1039 : vector<16xi32>
      %jit3A_1041 = arith.constant 0 : i32
      %jit3A_1042 = arith.constant 4 : i32
      %max3A_1043 = vector.broadcast %jit3A_1041 : i32 to vector<16xi32>
      %max3A_1044 = arith.maxsi %max3A_1043, %add3A_1040 : vector<16xi32>
      %min3A_1045 = vector.broadcast %jit3A_1042 : i32 to vector<16xi32>
      %min3A_1046 = arith.minsi %min3A_1045, %max3A_1044 : vector<16xi32>
      %mul3A_1047 = arith.constant 5 : i32
      %mul3A_1048 = vector.broadcast %mul3A_1047 : i32 to vector<16xi32>
      %mul3A_1049 = arith.muli %min3A_1036, %mul3A_1048 : vector<16xi32>
      %add3A_1050 = arith.addi %mul3A_1049, %min3A_1046 : vector<16xi32>
      %swap3A_1051 = arith.constant 3 : i32
      %swap3A_1052 = arith.index_cast %swap3A_1051 : i32 to index
      %swap3A_1053 = arith.constant 96 : index
      %swap3A_1054 = tpu.vector_load %arg11[%swap3A_1052, %swap3A_1053] {strides = array<i32>} : memref<4x128xi32, #tpu.memory_space<vmem>>, vector<16xi32>,
      tpu.vector_store %arg11[%swap3A_1052, %swap3A_1053], %add3A_1050 {strides = array<i32>} : memref<4x128xi32, #tpu.memory_space<vmem>>, vector<16xi32>,
      %get3A_1055 = arith.constant 496 : index
      %get3A_1056 = tpu.vector_load %arg14[%get3A_1055] {strides = array<i32>} : memref<512xi32, #tpu.memory_space<vmem>>, vector<16xi32>,
      %get3A_1057 = arith.constant 496 : index
      %get3A_1058 = tpu.vector_load %arg10[%get3A_1057] {strides = array<i32>} : memref<512xi32, #tpu.memory_space<vmem>>, vector<16xi32>,
      %sub3A_1059 = arith.subi %get3A_1056, %gather3A : vector<16xi32>
      %add3A_1060 = arith.constant 32 : i32
      %add3A_1061 = vector.broadcast %add3A_1060 : i32 to vector<16xi32>
      %add3A_1062 = arith.addi %sub3A_1059, %add3A_1061 : vector<16xi32>
      %jit3A_1063 = arith.constant 0 : i32
      %jit3A_1064 = arith.constant 64 : i32
      %max3A_1065 = vector.broadcast %jit3A_1063 : i32 to vector<16xi32>
      %max3A_1066 = arith.maxsi %max3A_1065, %add3A_1062 : vector<16xi32>
      %min3A_1067 = vector.broadcast %jit3A_1064 : i32 to vector<16xi32>
      %min3A_1068 = arith.minsi %min3A_1067, %max3A_1066 : vector<16xi32>
      %sub3A_1069 = arith.subi %get3A_1058, %gather3A_66 : vector<16xi32>
      %add3A_1070 = arith.constant 2 : i32
      %add3A_1071 = vector.broadcast %add3A_1070 : i32 to vector<16xi32>
      %add3A_1072 = arith.addi %sub3A_1069, %add3A_1071 : vector<16xi32>
      %jit3A_1073 = arith.constant 0 : i32
      %jit3A_1074 = arith.constant 4 : i32
      %max3A_1075 = vector.broadcast %jit3A_1073 : i32 to vector<16xi32>
      %max3A_1076 = arith.maxsi %max3A_1075, %add3A_1072 : vector<16xi32>
      %min3A_1077 = vector.broadcast %jit3A_1074 : i32 to vector<16xi32>
      %min3A_1078 = arith.minsi %min3A_1077, %max3A_1076 : vector<16xi32>
      %mul3A_1079 = arith.constant 5 : i32
      %mul3A_1080 = vector.broadcast %mul3A_1079 : i32 to vector<16xi32>
      %mul3A_1081 = arith.muli %min3A_1068, %mul3A_1080 : vector<16xi32>
      %add3A_1082 = arith.addi %mul3A_1081, %min3A_1078 : vector<16xi32>
      %swap3A_1083 = arith.constant 3 : i32
      %swap3A_1084 = arith.index_cast %swap3A_1083 : i32 to index
      %swap3A_1085 = arith.constant 112 : index
      %swap3A_1086 = tpu.vector_load %arg11[%swap3A_1084, %swap3A_1085] {strides = array<i32>} : memref<4x128xi32, #tpu.memory_space<vmem>>, vector<16xi32>,
      tpu.vector_store %arg11[%swap3A_1084, %swap3A_1085], %add3A_1082 {strides = array<i32>} : memref<4x128xi32, #tpu.memory_space<vmem>>, vector<16xi32>,
      %mul3A_1087 = arith.constant 512 : i32
      %mul3A_1088 = arith.muli %select_n3A, %mul3A_1087 : i32
      %add3A_1089 = arith.addi %mul3A_1088, %add3A_65 : i32
      %mul3A_1090 = arith.constant 512 : i32
      %mul3A_1091 = arith.muli %add3A_1089, %mul3A_1090 : i32
      %multiple_of3A_1092 = tpu.assume_multiple %mul3A_1091, 512 : i32
      %gt3A = arith.constant 0 : i32
      %gt3A_1093 = arith.cmpi sgt, %scan3A_64, %gt3A : i32
      %convert_element_type3A = arith.extui %gt3A_1093 : i1 to i32
      %cond3A = arith.constant 0 : i32
      %cond3A_1094 = arith.cmpi ne, %convert_element_type3A, %cond3A : i32
      scf.if %cond3A_1094 {
        %dma_wait3A_1189 = arith.constant 0 : i32
        %dma_wait3A_1190 = tpu.memref_slice %arg6[%multiple_of3A_1092, %dma_wait3A_1189] : memref<524288x128xf32, #tpu.memory_space<hbm>> -> memref<256x128xf32, #tpu.memory_space<hbm>>
        %dma_wait3A_1191 = arith.constant 0 : i32
        %dma_wait3A_1192 = tpu.memref_slice %arg6[%multiple_of3A_1092, %dma_wait3A_1191] : memref<524288x128xf32, #tpu.memory_space<hbm>> -> memref<256x128xf32, #tpu.memory_space<hbm>>
        tpu.wait_dma2 semaphore(%arg17 : memref<!tpu.dma_semaphore, #tpu.memory_space<semaphore_mem>>) src(%arg7 : memref<256x128xf32, #tpu.memory_space<vmem>>) dst(%dma_wait3A_1192 : memref<256x128xf32, #tpu.memory_space<hbm>>)
      } else {
      }
      %dma_start3A = arith.constant 0 : i32
      %dma_start3A_1095 = arith.constant 0 : i32
      %dma_start3A_1096 = arith.constant 0 : i32
      %dma_start3A_1097 = tpu.memref_slice %arg7[%dma_start3A_1095, %dma_start3A_1096] : memref<256x128xf32, #tpu.memory_space<vmem>> -> memref<128x128xf32, #tpu.memory_space<vmem>>
      %dma_start3A_1098 = arith.constant 0 : i32
      %dma_start3A_1099 = tpu.memref_slice %arg11[%dma_start3A, %dma_start3A_1098] : memref<4x128xi32, #tpu.memory_space<vmem>> -> memref<1x128xi32, #tpu.memory_space<vmem>>
      %dma_start3A_1100 = tpu.memref_squeeze %dma_start3A_1099 : memref<1x128xi32, #tpu.memory_space<vmem>> -> memref<128xi32, #tpu.memory_space<vmem>>
      %dma_start3A_1101 = arith.constant 0 : i32
      %dma_start3A_1102 = arith.constant 0 : i32
      %dma_start3A_1103 = tpu.memref_slice %arg15[%dma_start3A_1101, %dma_start3A_1102] : memref<336x128xf32, #tpu.memory_space<vmem_shared>> -> memref<336x128xf32, #tpu.memory_space<vmem_shared>>
      tpu.enqueue_indirect_dma source(%dma_start3A_1103 : memref<336x128xf32, #tpu.memory_space<vmem_shared>>) target(%dma_start3A_1097 : memref<128x128xf32, #tpu.memory_space<vmem>>) offsets(%dma_start3A_1100 : memref<128xi32, #tpu.memory_space<vmem>>) semaphore(%arg13 : memref<!tpu.dma_semaphore, #tpu.memory_space<semaphore_mem>>)
      %dma_start3A_1104 = arith.constant 1 : i32
      %dma_start3A_1105 = arith.constant 128 : i32
      %dma_start3A_1106 = arith.constant 0 : i32
      %dma_start3A_1107 = tpu.memref_slice %arg7[%dma_start3A_1105, %dma_start3A_1106] : memref<256x128xf32, #tpu.memory_space<vmem>> -> memref<128x128xf32, #tpu.memory_space<vmem>>
      %dma_start3A_1108 = arith.constant 0 : i32
      %dma_start3A_1109 = tpu.memref_slice %arg11[%dma_start3A_1104, %dma_start3A_1108] : memref<4x128xi32, #tpu.memory_space<vmem>> -> memref<1x128xi32, #tpu.memory_space<vmem>>
      %dma_start3A_1110 = tpu.memref_squeeze %dma_start3A_1109 : memref<1x128xi32, #tpu.memory_space<vmem>> -> memref<128xi32, #tpu.memory_space<vmem>>
      %dma_start3A_1111 = arith.constant 0 : i32
      %dma_start3A_1112 = arith.constant 0 : i32
      %dma_start3A_1113 = tpu.memref_slice %arg15[%dma_start3A_1111, %dma_start3A_1112] : memref<336x128xf32, #tpu.memory_space<vmem_shared>> -> memref<336x128xf32, #tpu.memory_space<vmem_shared>>
      tpu.enqueue_indirect_dma source(%dma_start3A_1113 : memref<336x128xf32, #tpu.memory_space<vmem_shared>>) target(%dma_start3A_1107 : memref<128x128xf32, #tpu.memory_space<vmem>>) offsets(%dma_start3A_1110 : memref<128xi32, #tpu.memory_space<vmem>>) semaphore(%arg13 : memref<!tpu.dma_semaphore, #tpu.memory_space<semaphore_mem>>)
      %gt3A_1114 = arith.constant 0 : i32
      %gt3A_1115 = arith.cmpi sgt, %scan3A_64, %gt3A_1114 : i32
      %convert_element_type3A_1116 = arith.extui %gt3A_1115 : i1 to i32
      %cond3A_1117 = arith.constant 0 : i32
      %cond3A_1118 = arith.cmpi ne, %convert_element_type3A_1116, %cond3A_1117 : i32
      scf.if %cond3A_1118 {
        %dma_wait3A_1189 = arith.constant 0 : i32
        %dma_wait3A_1190 = tpu.memref_slice %arg6[%multiple_of3A_1092, %dma_wait3A_1189] : memref<524288x128xf32, #tpu.memory_space<hbm>> -> memref<256x128xf32, #tpu.memory_space<hbm>>
        %dma_wait3A_1191 = arith.constant 0 : i32
        %dma_wait3A_1192 = tpu.memref_slice %arg6[%multiple_of3A_1092, %dma_wait3A_1191] : memref<524288x128xf32, #tpu.memory_space<hbm>> -> memref<256x128xf32, #tpu.memory_space<hbm>>
        tpu.wait_dma2 semaphore(%arg18 : memref<!tpu.dma_semaphore, #tpu.memory_space<semaphore_mem>>) src(%arg8 : memref<256x128xf32, #tpu.memory_space<vmem>>) dst(%dma_wait3A_1192 : memref<256x128xf32, #tpu.memory_space<hbm>>)
      } else {
      }
      %dma_start3A_1119 = arith.constant 2 : i32
      %dma_start3A_1120 = arith.constant 0 : i32
      %dma_start3A_1121 = arith.constant 0 : i32
      %dma_start3A_1122 = tpu.memref_slice %arg8[%dma_start3A_1120, %dma_start3A_1121] : memref<256x128xf32, #tpu.memory_space<vmem>> -> memref<128x128xf32, #tpu.memory_space<vmem>>
      %dma_start3A_1123 = arith.constant 0 : i32
      %dma_start3A_1124 = tpu.memref_slice %arg11[%dma_start3A_1119, %dma_start3A_1123] : memref<4x128xi32, #tpu.memory_space<vmem>> -> memref<1x128xi32, #tpu.memory_space<vmem>>
      %dma_start3A_1125 = tpu.memref_squeeze %dma_start3A_1124 : memref<1x128xi32, #tpu.memory_space<vmem>> -> memref<128xi32, #tpu.memory_space<vmem>>
      %dma_start3A_1126 = arith.constant 0 : i32
      %dma_start3A_1127 = arith.constant 0 : i32
      %dma_start3A_1128 = tpu.memref_slice %arg15[%dma_start3A_1126, %dma_start3A_1127] : memref<336x128xf32, #tpu.memory_space<vmem_shared>> -> memref<336x128xf32, #tpu.memory_space<vmem_shared>>
      tpu.enqueue_indirect_dma source(%dma_start3A_1128 : memref<336x128xf32, #tpu.memory_space<vmem_shared>>) target(%dma_start3A_1122 : memref<128x128xf32, #tpu.memory_space<vmem>>) offsets(%dma_start3A_1125 : memref<128xi32, #tpu.memory_space<vmem>>) semaphore(%arg13 : memref<!tpu.dma_semaphore, #tpu.memory_space<semaphore_mem>>)
      %dma_start3A_1129 = arith.constant 3 : i32
      %dma_start3A_1130 = arith.constant 128 : i32
      %dma_start3A_1131 = arith.constant 0 : i32
      %dma_start3A_1132 = tpu.memref_slice %arg8[%dma_start3A_1130, %dma_start3A_1131] : memref<256x128xf32, #tpu.memory_space<vmem>> -> memref<128x128xf32, #tpu.memory_space<vmem>>
      %dma_start3A_1133 = arith.constant 0 : i32
      %dma_start3A_1134 = tpu.memref_slice %arg11[%dma_start3A_1129, %dma_start3A_1133] : memref<4x128xi32, #tpu.memory_space<vmem>> -> memref<1x128xi32, #tpu.memory_space<vmem>>
      %dma_start3A_1135 = tpu.memref_squeeze %dma_start3A_1134 : memref<1x128xi32, #tpu.memory_space<vmem>> -> memref<128xi32, #tpu.memory_space<vmem>>
      %dma_start3A_1136 = arith.constant 0 : i32
      %dma_start3A_1137 = arith.constant 0 : i32
      %dma_start3A_1138 = tpu.memref_slice %arg15[%dma_start3A_1136, %dma_start3A_1137] : memref<336x128xf32, #tpu.memory_space<vmem_shared>> -> memref<336x128xf32, #tpu.memory_space<vmem_shared>>
      tpu.enqueue_indirect_dma source(%dma_start3A_1138 : memref<336x128xf32, #tpu.memory_space<vmem_shared>>) target(%dma_start3A_1132 : memref<128x128xf32, #tpu.memory_space<vmem>>) offsets(%dma_start3A_1135 : memref<128xi32, #tpu.memory_space<vmem>>) semaphore(%arg13 : memref<!tpu.dma_semaphore, #tpu.memory_space<semaphore_mem>>)
      %dma_wait3A_1139 = arith.constant 0 : i32
      %dma_wait3A_1140 = arith.constant 0 : i32
      %dma_wait3A_1141 = arith.constant 0 : i32
      %dma_wait3A_1142 = tpu.memref_slice %arg7[%dma_wait3A_1140, %dma_wait3A_1141] : memref<256x128xf32, #tpu.memory_space<vmem>> -> memref<128x128xf32, #tpu.memory_space<vmem>>
      %dma_wait3A_1143 = arith.constant 0 : i32
      %dma_wait3A_1144 = tpu.memref_slice %arg11[%dma_wait3A_1139, %dma_wait3A_1143] : memref<4x128xi32, #tpu.memory_space<vmem>> -> memref<1x128xi32, #tpu.memory_space<vmem>>
      %dma_wait3A_1145 = tpu.memref_squeeze %dma_wait3A_1144 : memref<1x128xi32, #tpu.memory_space<vmem>> -> memref<128xi32, #tpu.memory_space<vmem>>
      %dma_wait3A_1146 = arith.constant 0 : i32
      %dma_wait3A_1147 = arith.constant 0 : i32
      %dma_wait3A_1148 = tpu.memref_slice %arg15[%dma_wait3A_1146, %dma_wait3A_1147] : memref<336x128xf32, #tpu.memory_space<vmem_shared>> -> memref<336x128xf32, #tpu.memory_space<vmem_shared>>
      tpu.wait_indirect_dma semaphore(%arg13 : memref<!tpu.dma_semaphore, #tpu.memory_space<semaphore_mem>>) src(%dma_wait3A_1148 : memref<336x128xf32, #tpu.memory_space<vmem_shared>>) dst(%dma_wait3A_1142 : memref<128x128xf32, #tpu.memory_space<vmem>>)
      %dma_wait3A_1149 = arith.constant 1 : i32
      %dma_wait3A_1150 = arith.constant 128 : i32
      %dma_wait3A_1151 = arith.constant 0 : i32
      %dma_wait3A_1152 = tpu.memref_slice %arg7[%dma_wait3A_1150, %dma_wait3A_1151] : memref<256x128xf32, #tpu.memory_space<vmem>> -> memref<128x128xf32, #tpu.memory_space<vmem>>
      %dma_wait3A_1153 = arith.constant 0 : i32
      %dma_wait3A_1154 = tpu.memref_slice %arg11[%dma_wait3A_1149, %dma_wait3A_1153] : memref<4x128xi32, #tpu.memory_space<vmem>> -> memref<1x128xi32, #tpu.memory_space<vmem>>
      %dma_wait3A_1155 = tpu.memref_squeeze %dma_wait3A_1154 : memref<1x128xi32, #tpu.memory_space<vmem>> -> memref<128xi32, #tpu.memory_space<vmem>>
      %dma_wait3A_1156 = arith.constant 0 : i32
      %dma_wait3A_1157 = arith.constant 0 : i32
      %dma_wait3A_1158 = tpu.memref_slice %arg15[%dma_wait3A_1156, %dma_wait3A_1157] : memref<336x128xf32, #tpu.memory_space<vmem_shared>> -> memref<336x128xf32, #tpu.memory_space<vmem_shared>>
      tpu.wait_indirect_dma semaphore(%arg13 : memref<!tpu.dma_semaphore, #tpu.memory_space<semaphore_mem>>) src(%dma_wait3A_1158 : memref<336x128xf32, #tpu.memory_space<vmem_shared>>) dst(%dma_wait3A_1152 : memref<128x128xf32, #tpu.memory_space<vmem>>)
      %dma_start3A_1159 = arith.constant 0 : i32
      %dma_start3A_1160 = tpu.memref_slice %arg6[%multiple_of3A_1092, %dma_start3A_1159] : memref<524288x128xf32, #tpu.memory_space<hbm>> -> memref<256x128xf32, #tpu.memory_space<hbm>>
      %dma_start3A_1161 = arith.constant 0 : i32
      %dma_start3A_1162 = tpu.memref_slice %arg6[%multiple_of3A_1092, %dma_start3A_1161] : memref<524288x128xf32, #tpu.memory_space<hbm>> -> memref<256x128xf32, #tpu.memory_space<hbm>>
      tpu.enqueue_dma source(%arg7 : memref<256x128xf32, #tpu.memory_space<vmem>>) target(%dma_start3A_1162 : memref<256x128xf32, #tpu.memory_space<hbm>>) target_semaphore(%arg17 : memref<!tpu.dma_semaphore, #tpu.memory_space<semaphore_mem>>)
      %dma_wait3A_1163 = arith.constant 2 : i32
      %dma_wait3A_1164 = arith.constant 0 : i32
      %dma_wait3A_1165 = arith.constant 0 : i32
      %dma_wait3A_1166 = tpu.memref_slice %arg8[%dma_wait3A_1164, %dma_wait3A_1165] : memref<256x128xf32, #tpu.memory_space<vmem>> -> memref<128x128xf32, #tpu.memory_space<vmem>>
      %dma_wait3A_1167 = arith.constant 0 : i32
      %dma_wait3A_1168 = tpu.memref_slice %arg11[%dma_wait3A_1163, %dma_wait3A_1167] : memref<4x128xi32, #tpu.memory_space<vmem>> -> memref<1x128xi32, #tpu.memory_space<vmem>>
      %dma_wait3A_1169 = tpu.memref_squeeze %dma_wait3A_1168 : memref<1x128xi32, #tpu.memory_space<vmem>> -> memref<128xi32, #tpu.memory_space<vmem>>
      %dma_wait3A_1170 = arith.constant 0 : i32
      %dma_wait3A_1171 = arith.constant 0 : i32
      %dma_wait3A_1172 = tpu.memref_slice %arg15[%dma_wait3A_1170, %dma_wait3A_1171] : memref<336x128xf32, #tpu.memory_space<vmem_shared>> -> memref<336x128xf32, #tpu.memory_space<vmem_shared>>
      tpu.wait_indirect_dma semaphore(%arg13 : memref<!tpu.dma_semaphore, #tpu.memory_space<semaphore_mem>>) src(%dma_wait3A_1172 : memref<336x128xf32, #tpu.memory_space<vmem_shared>>) dst(%dma_wait3A_1166 : memref<128x128xf32, #tpu.memory_space<vmem>>)
      %dma_wait3A_1173 = arith.constant 3 : i32
      %dma_wait3A_1174 = arith.constant 128 : i32
      %dma_wait3A_1175 = arith.constant 0 : i32
      %dma_wait3A_1176 = tpu.memref_slice %arg8[%dma_wait3A_1174, %dma_wait3A_1175] : memref<256x128xf32, #tpu.memory_space<vmem>> -> memref<128x128xf32, #tpu.memory_space<vmem>>
      %dma_wait3A_1177 = arith.constant 0 : i32
      %dma_wait3A_1178 = tpu.memref_slice %arg11[%dma_wait3A_1173, %dma_wait3A_1177] : memref<4x128xi32, #tpu.memory_space<vmem>> -> memref<1x128xi32, #tpu.memory_space<vmem>>
      %dma_wait3A_1179 = tpu.memref_squeeze %dma_wait3A_1178 : memref<1x128xi32, #tpu.memory_space<vmem>> -> memref<128xi32, #tpu.memory_space<vmem>>
      %dma_wait3A_1180 = arith.constant 0 : i32
      %dma_wait3A_1181 = arith.constant 0 : i32
      %dma_wait3A_1182 = tpu.memref_slice %arg15[%dma_wait3A_1180, %dma_wait3A_1181] : memref<336x128xf32, #tpu.memory_space<vmem_shared>> -> memref<336x128xf32, #tpu.memory_space<vmem_shared>>
      tpu.wait_indirect_dma semaphore(%arg13 : memref<!tpu.dma_semaphore, #tpu.memory_space<semaphore_mem>>) src(%dma_wait3A_1182 : memref<336x128xf32, #tpu.memory_space<vmem_shared>>) dst(%dma_wait3A_1176 : memref<128x128xf32, #tpu.memory_space<vmem>>)
      %add3A_1183 = arith.constant 256 : i32
      %add3A_1184 = arith.addi %multiple_of3A_1092, %add3A_1183 : i32
      %dma_start3A_1185 = arith.constant 0 : i32
      %dma_start3A_1186 = tpu.memref_slice %arg6[%add3A_1184, %dma_start3A_1185] : memref<524288x128xf32, #tpu.memory_space<hbm>> -> memref<256x128xf32, #tpu.memory_space<hbm>>
      %dma_start3A_1187 = arith.constant 0 : i32
      %dma_start3A_1188 = tpu.memref_slice %arg6[%add3A_1184, %dma_start3A_1187] : memref<524288x128xf32, #tpu.memory_space<hbm>> -> memref<256x128xf32, #tpu.memory_space<hbm>>
      tpu.enqueue_dma source(%arg8 : memref<256x128xf32, #tpu.memory_space<vmem>>) target(%dma_start3A_1188 : memref<256x128xf32, #tpu.memory_space<hbm>>) target_semaphore(%arg18 : memref<!tpu.dma_semaphore, #tpu.memory_space<semaphore_mem>>)
    }
    %scan3A_45 = arith.constant 32 : i32
    %mul3A_46 = arith.constant 512 : i32
    %mul3A_47 = arith.muli %select_n3A, %mul3A_46 : i32
    %add3A_48 = arith.addi %mul3A_47, %select_n3A_32 : i32
    %add3A_49 = arith.constant 32 : i32
    %add3A_50 = arith.addi %add3A_48, %add3A_49 : i32
    %sub3A_51 = arith.constant 1 : i32
    %sub3A_52 = arith.subi %add3A_50, %sub3A_51 : i32
    %mul3A_53 = arith.constant 512 : i32
    %mul3A_54 = arith.muli %sub3A_52, %mul3A_53 : i32
    %multiple_of3A = tpu.assume_multiple %mul3A_54, 512 : i32
    %dma_wait3A = arith.constant 0 : i32
    %dma_wait3A_55 = tpu.memref_slice %arg6[%multiple_of3A, %dma_wait3A] : memref<524288x128xf32, #tpu.memory_space<hbm>> -> memref<256x128xf32, #tpu.memory_space<hbm>>
    %dma_wait3A_56 = arith.constant 0 : i32
    %dma_wait3A_57 = tpu.memref_slice %arg6[%multiple_of3A, %dma_wait3A_56] : memref<524288x128xf32, #tpu.memory_space<hbm>> -> memref<256x128xf32, #tpu.memory_space<hbm>>
    tpu.wait_dma2 semaphore(%arg17 : memref<!tpu.dma_semaphore, #tpu.memory_space<semaphore_mem>>) src(%arg7 : memref<256x128xf32, #tpu.memory_space<vmem>>) dst(%dma_wait3A_57 : memref<256x128xf32, #tpu.memory_space<hbm>>)
    %add3A_58 = arith.constant 256 : i32
    %add3A_59 = arith.addi %multiple_of3A, %add3A_58 : i32
    %dma_wait3A_60 = arith.constant 0 : i32
    %dma_wait3A_61 = tpu.memref_slice %arg6[%add3A_59, %dma_wait3A_60] : memref<524288x128xf32, #tpu.memory_space<hbm>> -> memref<256x128xf32, #tpu.memory_space<hbm>>
    %dma_wait3A_62 = arith.constant 0 : i32
    %dma_wait3A_63 = tpu.memref_slice %arg6[%add3A_59, %dma_wait3A_62] : memref<524288x128xf32, #tpu.memory_space<hbm>> -> memref<256x128xf32, #tpu.memory_space<hbm>>
    tpu.wait_dma2 semaphore(%arg18 : memref<!tpu.dma_semaphore, #tpu.memory_space<semaphore_mem>>) src(%arg8 : memref<256x128xf32, #tpu.memory_space<vmem>>) dst(%dma_wait3A_63 : memref<256x128xf32, #tpu.memory_space<hbm>>)
    return
  }
}

</mosaic_0001>

<sc_bundles>
// kernel: kernel.3.cloned.1.call-start
scs
__scs_entry_jumppad:
0x0: {  	(pc) =	sbr.rel $0x88, $3  }
0x1: {  	(tag) =	ssettag $0x0;
	lr =	simm.s32 $0x1  }
0x2: {  	[smem:$0x3F9D] =	sst lr;
	_ =	strace $0xD0000000  }
0x3: {  	_ = 	snop  }
0x4: {  	_ = 	snop  }
0x5: {  	_ = 	snop  }
0x6: {  	_ = 	snop  }
0x7: {  	_ = 	snop  }
__scs_overlays_trampoline_lowered:
0x8: {  	[smem:$0x3FAC] =	sst s0  }
0x9: {  	[smem:$0x3FAD] =	sst s1  }
0xa: {  	[smem:$0x3FAE] =	sst s2  }
0xb: {  	[smem:$0x3FAF] =	sst s3  }
0xc: {  	[smem:$0x3FB0] =	sst s4  }
0xd: {  	[smem:$0x3FB1] =	sst s5  }
0xe: {  	[smem:$0x3FB2] =	sst s6  }
0xf: {  	[smem:$0x3FB3] =	sst s7  }
0x10: {  	[smem:$0x3FB4] =	sst s8  }
0x11: {  	[smem:$0x3FB5] =	sst s9;
	s0 =	simm.s32 @!p0 $0x0  }
0x12: {  	s1 =	sld [smem:$0x3F9B];
	s0 =	simm.s32 @p0 $0x1  }
0x13: {  	[smem:$0x3FB6] =	sst s0;
	s0 =	simm.s32 @!p1 $0x0  }
0x14: {  	s2 =	sld [smem:$0x3F9A];
	s0 =	simm.s32 @p1 $0x1  }
0x15: {  	[smem:$0x3FB7] =	sst s0;
	s0 =	simm.s32 @!p2 $0x0  }
0x16: {  	s3 =	sld [smem:$0x3FDB];
	s0 =	simm.s32 @p2 $0x1  }
0x17: {  	s4 =	simm.s32 $0x1BF5;
	[smem:$0x3FB9] =	sst s0  }
0x18: {  	s0 =	sld [smem:$0x3F9C];
	_ =	swait.ge [sflag:s4], $0x0  }
0x19: {  	s7 =	sld [smem:$0x3F9D]  }
0x1a: {  	s8 =	sadd.s32 $0xFFFFE003, lr  }
0x1b: {  	s9 =	sadd.s32 $0xFFFFFEF7, lr;
	s5 =	simm.s32 $0xFFFFFFFF;
	p2 =	slt.u32 s8, $0xFFFFF086  }
0x1c: {  	p1 =	slt.u32 s9, $0xF7A;
	s5 =	simm.s32 @!p2 $0x0  }
0x1d: {  	s5 =	simm.s32 @p1 $0x1;
	p0 =	seq.s32 s7, s2  }
0x1e: {  	s7 =	smul.u32 @!p0 $0xF7A, s2;
	p2 =	seq.s32 @!p0 s5, $0x0  }
0x1f: {  	s9 =	smul.u32 $0xF7A, s1;
	s8 =	simm.s32 @!p0 $0x1BF5;
	p2 =	por !p2, p0  }
0x20: {  	[sflag:s8] =	ssyncset.s32 @!p0 $0xFFFFF086;
	s6 =	sadd.s32 @!p0 s3, s7;
	s7 =	simm.s32 @!p0 $0x108  }
0x21: {  	s3 =	sadd.s32 s3, s9;
	s6 =	sadd.s32 @!p0 $0x88, s6;
	s7 =	simm.s32 @p2 $0x1082  }
0x22: {  	[simem:s7], [sflag:s8] =	dma.local @!p0 [hbm:s6], $0xF7A  }
0x23: {  	s9 =	sor.u32 $0xD0000000, s2;
	s6 =	simm.s32 $0x108;
	_ =	swait.ge @!p0 [sflag:s8], $0x0  }
0x24: {  	s3 =	sadd.s32 $0x88, s3;
	s6 =	simm.s32 @!p1 $0x1082;
	[sflag:s4] =	ssyncset.s32 $0xFFFFF086  }
0x25: {  	[simem:s6], [sflag:s4] =	dma.local [hbm:s3], $0xF7A  }
0x26: {  	[smem:$0x3F9D] =	sst s1;
	(tag) =	ssettag s2;
	_ =	strace s9  }
0x27: {  	s1 =	sld [smem:$0x3FAD]  }
0x28: {  	s2 =	sld [smem:$0x3FAE]  }
0x29: {  	s4 =	sld [smem:$0x3FB0]  }
0x2a: {  	p0 =	seq.s32 s5, $0x0;
	s5 =	sld [smem:$0x3FB1]  }
0x2b: {  	s6 =	sld [smem:$0x3FB2]  }
0x2c: {  	s7 =	sld [smem:$0x3FB3]  }
0x2d: {  	s3 =	simm.s32 $0x108;
	s8 =	sld [smem:$0x3FB4]  }
0x2e: {  	s3 =	simm.s32 @!p0 $0x1082;
	s9 =	sld [smem:$0x3FB5]  }
0x2f: {  	lr =	sadd.s32 s0, s3;
	s0 =	sld [smem:$0x3FAC]  }
0x30: {  	s3 =	sld [smem:$0x3FAF]  }
0x31: {  	[smem:$0x3FB8] =	sst s10  }
0x32: {  	s10 =	sld [smem:$0x3FB6];
	_ =	sdelay $0x3  }
0x33: {  	p0 =	seq.s32 s10, $0x1;
	s10 =	sld [smem:$0x3FB8];
	_ =	sdelay $0x3  }
0x34: {  	[smem:$0x3FB8] =	sst s10  }
0x35: {  	s10 =	sld [smem:$0x3FB7];
	_ =	sdelay $0x3  }
0x36: {  	p1 =	seq.s32 s10, $0x1;
	s10 =	sld [smem:$0x3FB8];
	_ =	sdelay $0x3  }
0x37: {  	[smem:$0x3FB8] =	sst s10  }
0x38: {  	s10 =	sld [smem:$0x3FB9]  }
0x39: {  	_ = 	snop;
	(pc) =	sbr.ind lr, $3  }
0x3a: {  	_ = 	snop  }
0x3b: {  	_ = 	snop  }
0x3c: {  	p2 =	seq.s32 s10, $0x1;
	s10 =	sld [smem:$0x3FB8]  }
0x3d: {  	_ =	shalt  }
0x3e: {  	_ =	shalt  }
0x3f: {  	_ =	shalt  }
0x40: {  	_ =	shalt  }
0x41: {  	_ =	shalt  }
0x42: {  	_ =	shalt  }
0x43: {  	_ =	shalt  }
0x44: {  	_ =	shalt  }
0x45: {  	_ =	shalt  }
0x46: {  	_ =	shalt  }
0x47: {  	_ =	shalt  }
0x48: {  	_ =	shalt  }
0x49: {  	_ =	shalt  }
0x4a: {  	_ =	shalt  }
0x4b: {  	_ =	shalt  }
0x4c: {  	_ =	shalt  }
0x4d: {  	_ =	shalt  }
0x4e: {  	_ =	shalt  }
0x4f: {  	_ =	shalt  }
0x50: {  	_ =	shalt  }
0x51: {  	_ =	shalt  }
0x52: {  	_ =	shalt  }
0x53: {  	_ =	shalt  }
0x54: {  	_ =	shalt  }
0x55: {  	_ =	shalt  }
0x56: {  	_ =	shalt  }
0x57: {  	_ =	shalt  }
0x58: {  	_ =	shalt  }
0x59: {  	_ =	shalt  }
0x5a: {  	_ =	shalt  }
0x5b: {  	_ =	shalt  }
0x5c: {  	_ =	shalt  }
0x5d: {  	_ =	shalt  }
0x5e: {  	_ =	shalt  }
0x5f: {  	_ =	shalt  }
0x60: {  	_ =	shalt  }
0x61: {  	_ =	shalt  }
0x62: {  	_ =	shalt  }
0x63: {  	_ =	shalt  }
0x64: {  	_ =	shalt  }
0x65: {  	_ =	shalt  }
0x66: {  	_ =	shalt  }
0x67: {  	_ =	shalt  }
0x68: {  	_ =	shalt  }
0x69: {  	_ =	shalt  }
0x6a: {  	_ =	shalt  }
0x6b: {  	_ =	shalt  }
0x6c: {  	_ =	shalt  }
0x6d: {  	_ =	shalt  }
0x6e: {  	_ =	shalt  }
0x6f: {  	_ =	shalt  }
0x70: {  	_ =	shalt  }
0x71: {  	_ =	shalt  }
0x72: {  	_ =	shalt  }
0x73: {  	_ =	shalt  }
0x74: {  	_ =	shalt  }
0x75: {  	_ =	shalt  }
0x76: {  	_ =	shalt  }
0x77: {  	_ =	shalt  }
0x78: {  	_ =	shalt  }
0x79: {  	_ =	shalt  }
0x7a: {  	_ =	shalt  }
0x7b: {  	_ =	shalt  }
0x7c: {  	_ =	shalt  }
0x7d: {  	_ =	shalt  }
0x7e: {  	_ =	shalt  }
0x7f: {  	_ =	shalt  }
0x80: {  	_ =	shalt  }
0x81: {  	_ =	shalt  }
0x82: {  	_ =	shalt  }
0x83: {  	_ =	shalt  }
0x84: {  	_ =	shalt  }
0x85: {  	_ =	shalt  }
0x86: {  	_ =	shalt  }
0x87: {  	_ =	shalt  }
.Lfunc_end0:
.L_simem_size_0:
called_computation_lowered:
.L_overlay_start_0:
0x88: {  	s2 =	sld [smem:$0x3FD9]  }
0x89: {  	s3 =	sld [smem:$0x3FFE];
	_ =	sdelay $0x1  }
0x8a: {  	s1 =	srdreg.scid  }
0x8b: {  	s0 =	sand.u32 $0x1, s1  }
0x8c: {  	s18 =	sshll.u32 s0, $0xA;
	s2 =	sadd.s32 s3, s2  }
0x8d: {  	s2 =	sadd.s32 s2, s18  }
0x8e: {  	[smem:$0x3FC4] =	sst s2  }
0x8f: {  	_ = 	snop  }
0x90: {  	s2 =	sld [smem:$0x3FC9]  }
0x91: {  	s19 =	sld [smem:$0x3FC8]  }
0x92: {  	s4 =	sld [smem:$0x3FC7]  }
0x93: {  	s5 =	sld [smem:$0x3FC6]  }
0x94: {  	s6 =	sld [smem:$0x3FD0];
	(tm) =	ssettm $0x1  }
0x95: {  	s7 =	sld [smem:$0x3FFB];
	_ =	sdelay $0x3  }
0x96: {  	_ =	strace s7  }
0x97: {  	s7 =	sld [smem:$0x3FFC];
	_ =	sdelay $0x3  }
0x98: {  	_ =	strace s7  }
0x99: {  	s7 =	sld [smem:$0x3FFD];
	_ =	sdelay $0x3  }
0x9a: {  	_ =	strace s7  }
0x9b: {  	_ =	strace $0x8FFFFFFF  }
0x9c: {  	s20 =	sld [smem:$0x3FDB];
	_ =	sdelay $0x1  }
0x9d: {  	s8 =	simm.s32 $_scs_section_size  }
0x9e: {  	s9 =	simm.s32 $_size__tile_overlayer_lowered;
	s10 =	simm.s32 $_tile_overlayer_lowered  }
0x9f: {  	s23 =	simm.s32 $0x1BFF;
	s22 =	sshll.u32 s10, $0x1;
	s7 =	sadd.s32 s8, s20  }
0xa0: {  	s11 =	simm.s32 $0x0;
	s21 =	sshll.u32 s9, $0x1;
	s9 =	sadd.s32 s22, s7  }
0xa1: {  	[timem:s11], [sflag:s23] =	dma.local [hbm:s9], s21  }
0xa2: {  	_ =	swait.ge [sflag:s23], s21  }
0xa3: {  	s8 =	ssub.s32 $0x0, s21;
	[sflag:s23] =	ssyncset.done $0x0  }
0xa4: {  	[sflag:s23] =	ssyncadd.s32 s8;
	_ =	sdelay $0x1  }
0xa5: {  	s24 =	simm.s32 $0x1B8B  }
0xa6: {  	_ =	swait.ge [sflag:s24], $0x1  }
0xa7: {  	[sflag:s24] =	ssyncset.done $0x0  }
0xa8: {  	s25 =	simm.s32 $0x1B8E;
	[sflag:s24] =	ssyncadd.s32 $0xFFFFFFFF  }
0xa9: {  	s26 =	simm.s32 $execute0_lowered;
	[smem:$0x3FD2] =	sst s25  }
0xaa: {  	s8 =	sshll.u32 s26, $0x1;
	_ =	strace $0x80000046;
	[dreg:$0x1] =	wrdreg $0xFFFFFFFF  }
0xab: {  	s28 =	simm.s32 $_size_execute0_lowered;
	s7 =	sadd.s32 s7, s8;
	[dreg:$0x0] =	wrdreg $0x0  }
0xac: {  	s8 =	sshll.u32 s28, $0x1;
	[dreg:$0x2] =	wrdreg s7  }
0xad: {  	[dreg:$0x3] =	wrdreg s8  }
0xae: {  	[dreg:$0x4] =	wrdreg $0xC0  }
0xaf: {  	_ =	task [dreg:s11], $0x5FFFF  }
0xb0: {  	[dreg:$0x1] =	wrdreg $0xFFFFFFFF  }
0xb1: {  	[dreg:$0x0] =	wrdreg $0x60  }
0xb2: {  	[dreg:$0x2] =	wrdreg s2  }
0xb3: {  	[dreg:$0x3] =	wrdreg s19  }
0xb4: {  	[dreg:$0x4] =	wrdreg s4  }
0xb5: {  	[dreg:$0x5] =	wrdreg s5  }
0xb6: {  	[dreg:$0x6] =	wrdreg s6  }
0xb7: {  	[dreg:$0x7] =	wrdreg $0x129000  }
0xb8: {  	[dreg:$0x8] =	wrdreg $0x9  }
0xb9: {  	_ =	task.clear_ibuf [dreg:s11], $0x9FFFF;
	_ =	strace $0x90000046  }
0xba: {  	s29 =	simm.s32 $0x9;
	_ =	strace $0x80000048  }
0xbb: {  	_ =	swait.ge [sflag:s29], $0x1  }
0xbc: {  	[sflag:s29] =	ssyncadd.s32 $0xFFFFFFFF  }
0xbd: {  	_ =	strace $0x90000048  }
0xbe: {  	_ =	sfence  }
0xbf: {  	s30 =	sld [smem:$0x0];
	_ =	sdelay $0x2  }
0xc0: {  	s31 =	sshll.u32 s1, $0xD;
	s1 =	sshrl.u32 s1, $0x2  }
0xc1: {  	s3 =	sand.u32 $0x4000, s31;
	s1 =	sadd.s32 s1, s30  }
0xc2: {  	s0 =	sor.u32 s3, s0;
	s1 =	sshll.u32 s1, $0x11  }
0xc3: {  	s0 =	sor.u32 s1, s0  }
0xc4: {  	s0 =	sadd.s32 $0x8F2B, s0  }
0xc5: {  	[sflag:s0] =	ssyncadd.remote.s32 $0x1  }
0xc6: {  	_ =	sfence.sel $0xFFFF  }
0xc7: {  	[dreg:$0x0] =	wrdreg $0xFFFFFFFF;
	(pc) =	sbr.abs _section_cstart, $3  }
0xc8: {  	[dreg:$0x1] =	wrdreg $0xFFFFFFFF  }
0xc9: {  	_ =	task.clear_ibuf [dreg:s11], $0x2FFFF;
	_ =	strace $0x9FFFFFFF  }
0xca: {  	(tm) =	ssettm $0x7FFFFFFF  }
0xcb: {  	_ =	shalt  }
tec
execute0_lowered:
.L_overlay_start_1:
0x0: {  	(tag) =	ssettag $0x1  }
0x1: {  	s0 =	rddreg [dreg:$0x0]  }
0x2: {  	s1 =	rddreg [dreg:$0x1]  }
0x3: {  	s2 =	rddreg [dreg:$0x4];
	s4 =	srdreg.scid  }
0x4: {  	s3 =	rddreg [dreg:$0x5];
	s14 =	stileid.u32  }
0x5: {  	s15 =	simm.s32 $0x12700;
	s16 =	simm.s32 $0x4;
	s17 =	simm.s32 $0x10280  }
0x6: {  	s19 =	simm.s32 $0x10000;
	s20 =	simm.s32 $0x13380;
	s28 =	simm.s32 $0x3  }
0x7: {  	s29 =	simm.s32 $0x0;
	s5 =	sand.u32 $0x1, s4;
	s4 =	simm.s32 $0x0  }
0x8: {  	s9 =	sshrl.u32 s14, $0x3;
	s21 =	sshll.u32 s14, $0x6;
	s11 =	smul.u32 $0x2A00, s14  }
0x9: {  	s8 =	smul.u32 $0x15, s14;
	s25 =	sand.u32 $0x7, s14;
	s14 =	simm.s32 $0x100  }
0xa: {  	s6 =	ssub.s32 $0x2, s5;
	[smem:$0x7FF] =	sst s4;
	s12 =	sshll.u32 s5, $0x5  }
0xb: {  	s13 =	sand.u32 $0x1C0, s21;
	s22 =	sshll.u32 s9, $0x4;
	s24 =	sshll.u32 s9, $0x16  }
0xc: {  	s30 =	sshll.u32 s25, $0x13;
	s31 =	sshll.u32 s5, $0x12;
	s21 =	simm.s32 $0x10580  }
0xd: {  	s25 =	simm.s32 $0x1;
	s7 =	sshrl.u32 s6, $0x1;
	_ =	strace $0x80000047  }
0xe: {  	s23 =	sshrl.u32 s11, $0x2;
	s26 =	sadd.s32 s24, s2;
	s12 =	sor.u32 s12, s13  }
0xf: {  	s13 =	simm.s32 $0x80;
	s24 =	simm.s32 $0xC000;
	s10 =	ssub.s32 s6, s7  }
0x10: {  	s6 =	sadd.s32 s0, s22;
	s7 =	sadd.s32 s1, s22;
	s9 =	sadd.s32 s23, s3  }
0x11: {  	s0 =	sadd.s32 s30, s26;
	s22 =	simm.s32 $0x8000;
	s23 =	simm.s32 $0x10600  }
0x12: {  	s26 =	simm.s32 $0x2;
	s10 =	smax.u32 s10, $0x1;
	s11 =	sadd.s32 s31, s0  }
.LBB2_1:
0x13: {  	[tilespmem:s15], [sflag:$0x4] =	stream.strided.gather [hbm4b:s6+s13], $0x200, s14, s13, $0x38;
	[tilespmem:$0x13F80] =	vst v63  }
0x14: {  	_ =	swait.ge [sflag:s16], $0x200  }
0x15: {  	[sflag:s16] =	ssyncset.done $0x0  }
0x16: {  	[sflag:s16] =	ssyncadd.s32 $0xFFFFFE00  }
0x17: {  	[tilespmem:s17], [sflag:$0x4] =	stream.strided.gather [hbm4b:s7+s13], $0x200, s14, s13, $0x38;
	[tilespmem:$0x13F80] =	vst v63  }
0x18: {  	_ =	swait.ge [sflag:s16], $0x200  }
0x19: {  	[sflag:s16] =	ssyncset.done $0x0  }
0x1a: {  	[sflag:s16] =	ssyncadd.s32 $0xFFFFFE00  }
0x1b: {  	s1 =	simm.s32 $0x10680;
	s0 =	rddreg [dreg:$0x2]  }
0x1c: {  	[tilespmem:s1], [sflag:$0x4] =	stream.linear.gather [hbm4b:s0+s4], $0x2080, $0x38;
	[tilespmem:$0x13F80] =	vst v63  }
0x1d: {  	s0 =	sadd.s32 $0x0, s8;
	_ =	swait.ge [sflag:s16], $0x2080  }
0x1e: {  	p0 =	slt.s32 s0, $0x144;
	[sflag:s16] =	ssyncset.done $0x0  }
0x1f: {  	s0 =	simm.s32 @!p0 $0x144;
	[sflag:s16] =	ssyncadd.s32 $0xFFFFDF80  }
0x20: {  	s18 =	smulhi.u32 $0xCCCCCCCD, s0;
	s2 =	rddreg [dreg:$0x3]  }
0x21: {  	[tilespmem:s19], [sflag:$0x4] =	stream.linear.gather [hbm4b:s2+s4], $0x280, $0x38;
	[tilespmem:$0x13F80] =	vst v63  }
0x22: {  	s5 =	sshrl.u32 s18, $0x2  }
0x23: {  	s2 =	smul.u32 $0x5, s5  }
0x24: {  	_ =	swait.ge [sflag:s16], $0x280  }
0x25: {  	s1 =	sshll.u32 s18, $0x5;
	[sflag:s16] =	ssyncset.done $0x0;
	s0 =	ssub.s32 s0, s2  }
0x26: {  	s5 =	sand.u32 $0x3FFFFF80, s1;
	[sflag:s16] =	ssyncadd.s32 $0xFFFFFD80;
	s0 =	sshll.u32 s0, $0x7  }
0x27: {  	v0 =	vld [tilespmem:s5+$0x10680];
	s18 =	sor.u32 $0x10000, s0  }
0x28: {  	v1 =	vld [tilespmem:s18+$0x0];
	_ =	sdelay $0x4  }
0x29: {  	v0 =	vadd.f32 v1, v0  }
0x2a: {  	s30 =	simm.s32 $0x133C0  }
0x2b: {  	[tilespmem:s30+$0xFFFFFFC0] =	vst v0  }
0x2c: {  	s2 =	sor.u32 $0x10010, s0;
	v0 =	vld [tilespmem:s5+$0x10690]  }
0x2d: {  	v1 =	vld [tilespmem:s2+$0x0];
	_ =	sdelay $0x4  }
0x2e: {  	v0 =	vadd.f32 v1, v0;
	_ =	sdelay $0x1  }
0x2f: {  	[tilespmem:s30+$0xFFFFFFD0] =	vst v0  }
0x30: {  	s18 =	sor.u32 $0x10020, s0;
	v0 =	vld [tilespmem:s5+$0x106A0]  }
0x31: {  	v1 =	vld [tilespmem:s18+$0x0];
	_ =	sdelay $0x4  }
0x32: {  	v0 =	vadd.f32 v1, v0;
	_ =	sdelay $0x1  }
0x33: {  	[tilespmem:s30+$0xFFFFFFE0] =	vst v0  }
0x34: {  	s2 =	sor.u32 $0x10030, s0;
	v0 =	vld [tilespmem:s5+$0x106B0]  }
0x35: {  	v1 =	vld [tilespmem:s2+$0x0];
	_ =	sdelay $0x4  }
0x36: {  	v0 =	vadd.f32 v1, v0;
	_ =	sdelay $0x1  }
0x37: {  	[tilespmem:s30+$0xFFFFFFF0] =	vst v0  }
0x38: {  	s18 =	sor.u32 $0x10040, s0;
	v0 =	vld [tilespmem:s5+$0x106C0]  }
0x39: {  	v1 =	vld [tilespmem:s18+$0x0];
	_ =	sdelay $0x4  }
0x3a: {  	v0 =	vadd.f32 v1, v0;
	_ =	sdelay $0x1  }
0x3b: {  	[tilespmem:s30+$0x0] =	vst v0  }
0x3c: {  	s2 =	sor.u32 $0x10050, s0;
	v0 =	vld [tilespmem:s5+$0x106D0]  }
0x3d: {  	v1 =	vld [tilespmem:s2+$0x0];
	_ =	sdelay $0x4  }
0x3e: {  	v0 =	vadd.f32 v1, v0;
	_ =	sdelay $0x1  }
0x3f: {  	[tilespmem:s30+$0x10] =	vst v0  }
0x40: {  	s18 =	sor.u32 $0x10060, s0;
	v0 =	vld [tilespmem:s5+$0x106E0]  }
0x41: {  	v1 =	vld [tilespmem:s18+$0x0];
	_ =	sdelay $0x4  }
0x42: {  	v0 =	vadd.f32 v1, v0;
	_ =	sdelay $0x1  }
0x43: {  	s31 =	simm.s32 $0x133C0;
	s18 =	sadd.s32 $0x1, s8;
	[tilespmem:s30+$0x20] =	vst v0  }
0x44: {  	s1 =	simm.s32 $0x2;
	s2 =	sor.u32 $0x10070, s0;
	p1 =	slt.s32 s18, $0x144;
	v0 =	vld [tilespmem:s5+$0x106F0]  }
.LBB2_2:
0x45: {  	s18 =	simm.s32 @!p1 $0x144  }
0x46: {  	v1 =	vld [tilespmem:s2+$0x0];
	s30 =	sadd.s32 $0x80, s30;
	s5 =	smov.u32 s1;
	s0 =	sadd.s32 $0x1, s1  }
0x47: {  	p0 =	sne.s32 s1, $0x14;
	s1 =	smulhi.u32 $0xCCCCCCCD, s18;
	_ =	sdelay $0x1  }
0x48: {  	s2 =	sshrl.u32 s1, $0x2;
	s1 =	sshll.u32 s1, $0x5  }
0x49: {  	s2 =	smul.u32 $0x5, s2  }
0x4a: {  	v0 =	vadd.f32 v1, v0  }
0x4b: {  	s2 =	ssub.s32 s18, s2  }
0x4c: {  	s1 =	sand.u32 $0x3FFFFF80, s1;
	s2 =	sshll.u32 s2, $0x7;
	[tilespmem:s31+$0x30] =	vst v0;
	s31 =	smov.u32 s30  }
0x4d: {  	v0 =	vld [tilespmem:s1+$0x10680];
	s18 =	sor.u32 $0x10000, s2  }
0x4e: {  	v1 =	vld [tilespmem:s18+$0x0];
	_ =	sdelay $0x4  }
0x4f: {  	v0 =	vadd.f32 v1, v0;
	_ =	sdelay $0x1  }
0x50: {  	s18 =	sor.u32 $0x10010, s2;
	[tilespmem:s30+$0xFFFFFFC0] =	vst v0  }
0x51: {  	v0 =	vld [tilespmem:s1+$0x10690]  }
0x52: {  	v1 =	vld [tilespmem:s18+$0x0];
	_ =	sdelay $0x4  }
0x53: {  	v0 =	vadd.f32 v1, v0;
	_ =	sdelay $0x1  }
0x54: {  	s18 =	sor.u32 $0x10020, s2;
	[tilespmem:s30+$0xFFFFFFD0] =	vst v0  }
0x55: {  	v0 =	vld [tilespmem:s1+$0x106A0]  }
0x56: {  	v1 =	vld [tilespmem:s18+$0x0];
	_ =	sdelay $0x4  }
0x57: {  	v0 =	vadd.f32 v1, v0;
	_ =	sdelay $0x1  }
0x58: {  	s18 =	sor.u32 $0x10030, s2;
	[tilespmem:s30+$0xFFFFFFE0] =	vst v0  }
0x59: {  	v0 =	vld [tilespmem:s1+$0x106B0]  }
0x5a: {  	v1 =	vld [tilespmem:s18+$0x0];
	_ =	sdelay $0x4  }
0x5b: {  	v0 =	vadd.f32 v1, v0;
	_ =	sdelay $0x1  }
0x5c: {  	s18 =	sor.u32 $0x10040, s2;
	[tilespmem:s30+$0xFFFFFFF0] =	vst v0  }
0x5d: {  	v0 =	vld [tilespmem:s1+$0x106C0]  }
0x5e: {  	v1 =	vld [tilespmem:s18+$0x0];
	_ =	sdelay $0x4  }
0x5f: {  	v0 =	vadd.f32 v1, v0;
	_ =	sdelay $0x1  }
0x60: {  	s18 =	sor.u32 $0x10050, s2;
	[tilespmem:s30+$0x0] =	vst v0  }
0x61: {  	v0 =	vld [tilespmem:s1+$0x106D0]  }
0x62: {  	v1 =	vld [tilespmem:s18+$0x0];
	_ =	sdelay $0x4  }
0x63: {  	v0 =	vadd.f32 v1, v0;
	_ =	sdelay $0x1  }
0x64: {  	s18 =	sor.u32 $0x10060, s2;
	[tilespmem:s30+$0x10] =	vst v0  }
0x65: {  	v0 =	vld [tilespmem:s1+$0x106E0]  }
0x66: {  	v1 =	vld [tilespmem:s18+$0x0];
	_ =	sdelay $0x3  }
.Ltmp0:
0x67: {  	(pc) =	sbr.rel @p0 .LBB2_2-.Ltmp0, $3  }
0x68: {  	v0 =	vadd.f32 v1, v0;
	_ =	sdelay $0x1  }
0x69: {  	s2 =	sor.u32 $0x10070, s2;
	s18 =	sadd.s32 s5, s8;
	[tilespmem:s30+$0x20] =	vst v0  }
0x6a: {  	p1 =	slt.s32 s18, $0x144;
	v0 =	vld [tilespmem:s1+$0x106F0];
	s1 =	smov.u32 s0  }
0x6b: {  	s18 =	simm.s32 @!p1 $0x144;
	v1 =	vld [tilespmem:s2+$0x0]  }
0x6c: {  	s0 =	smulhi.u32 $0xCCCCCCCD, s18;
	_ =	sdelay $0x1  }
0x6d: {  	s1 =	sshrl.u32 s0, $0x2  }
0x6e: {  	s1 =	smul.u32 $0x5, s1  }
0x6f: {  	v0 =	vadd.f32 v1, v0  }
0x70: {  	s0 =	sshll.u32 s0, $0x5;
	s1 =	ssub.s32 s18, s1  }
0x71: {  	s0 =	sand.u32 $0x3FFFFF80, s0;
	s1 =	sshll.u32 s1, $0x7;
	[tilespmem:s31+$0x30] =	vst v0  }
0x72: {  	v0 =	vld [tilespmem:s0+$0x10680];
	s5 =	sor.u32 $0x10000, s1  }
0x73: {  	v56 =	vld [tilespmem:s5+$0x0];
	_ =	sdelay $0x4  }
0x74: {  	v0 =	vadd.f32 v56, v0  }
0x75: {  	s2 =	sadd.s32 $0x80, s30  }
0x76: {  	[tilespmem:s2+$0xFFFFFFC0] =	vst v0  }
0x77: {  	s5 =	sor.u32 $0x10010, s1;
	v0 =	vld [tilespmem:s0+$0x10690]  }
0x78: {  	v57 =	vld [tilespmem:s5+$0x0];
	_ =	sdelay $0x4  }
0x79: {  	v0 =	vadd.f32 v57, v0;
	_ =	sdelay $0x1  }
0x7a: {  	[tilespmem:s2+$0xFFFFFFD0] =	vst v0  }
0x7b: {  	s18 =	sor.u32 $0x10020, s1;
	v0 =	vld [tilespmem:s0+$0x106A0]  }
0x7c: {  	v58 =	vld [tilespmem:s18+$0x0];
	_ =	sdelay $0x4  }
0x7d: {  	v0 =	vadd.f32 v58, v0;
	_ =	sdelay $0x1  }
0x7e: {  	[tilespmem:s2+$0xFFFFFFE0] =	vst v0  }
0x7f: {  	s18 =	sor.u32 $0x10030, s1;
	v0 =	vld [tilespmem:s0+$0x106B0]  }
0x80: {  	v59 =	vld [tilespmem:s18+$0x0];
	_ =	sdelay $0x4  }
0x81: {  	v0 =	vadd.f32 v59, v0;
	_ =	sdelay $0x1  }
0x82: {  	[tilespmem:s2+$0xFFFFFFF0] =	vst v0  }
0x83: {  	s18 =	sor.u32 $0x10040, s1;
	v0 =	vld [tilespmem:s0+$0x106C0]  }
0x84: {  	v60 =	vld [tilespmem:s18+$0x0];
	_ =	sdelay $0x4  }
0x85: {  	v0 =	vadd.f32 v60, v0;
	_ =	sdelay $0x1  }
0x86: {  	[tilespmem:s2+$0x0] =	vst v0  }
0x87: {  	s18 =	sor.u32 $0x10050, s1;
	v0 =	vld [tilespmem:s0+$0x106D0]  }
0x88: {  	v61 =	vld [tilespmem:s18+$0x0];
	_ =	sdelay $0x4  }
0x89: {  	v0 =	vadd.f32 v61, v0;
	_ =	sdelay $0x1  }
0x8a: {  	[tilespmem:s2+$0x10] =	vst v0  }
0x8b: {  	s18 =	sor.u32 $0x10060, s1;
	v0 =	vld [tilespmem:s0+$0x106E0]  }
0x8c: {  	v62 =	vld [tilespmem:s18+$0x0];
	_ =	sdelay $0x4  }
0x8d: {  	v0 =	vadd.f32 v62, v0;
	_ =	sdelay $0x1  }
0x8e: {  	[tilespmem:s2+$0x20] =	vst v0  }
0x8f: {  	s1 =	sor.u32 $0x10070, s1;
	v0 =	vld [tilespmem:s0+$0x106F0]  }
0x90: {  	v63 =	vld [tilespmem:s1+$0x0];
	_ =	sdelay $0x4  }
0x91: {  	v0 =	vadd.f32 v63, v0;
	_ =	sdelay $0x1  }
0x92: {  	[tilespmem:s2+$0x30] =	vst v0  }
0x93: {  	[spmem:s9] =	stream.linear.scatter [tilespmem:s20], [sflag:$0x4], $0xA80, $0x38;
	[tilespmem:$0x13F80] =	vst v63  }
0x94: {  	_ =	swait.ge [sflag:s16], $0xA80  }
0x95: {  	[sflag:s16] =	ssyncset.done $0x0  }
0x96: {  	[sflag:s16] =	ssyncadd.s32 $0xFFFFF580  }
0x97: {  	s30 =	simm.s32 $0x0;
	s31 =	smov.u32 s12;
	[bflag:$0x0] =	sbarrier.arrive $0xFFFF  }
.LBB2_4:
0x98: {  	v2 =	vld [tilespmem:$0x12700]  }
0x99: {  	v3 =	vld [tilespmem:$0x10280]  }
0x9a: {  	v4 =	vld [tilespmem:$0x12710]  }
0x9b: {  	v5 =	vld [tilespmem:$0x10290]  }
0x9c: {  	v6 =	vld [tilespmem:$0x12720]  }
0x9d: {  	v7 =	vld [tilespmem:$0x102A0]  }
0x9e: {  	v8 =	vld [tilespmem:$0x12730]  }
0x9f: {  	v9 =	vld [tilespmem:$0x102B0]  }
0xa0: {  	v25 =	vld [tilespmem:$0x12740]  }
0xa1: {  	v27 =	vld [tilespmem:$0x102C0]  }
0xa2: {  	v10 =	vld [tilespmem:$0x12750]  }
0xa3: {  	v11 =	vld [tilespmem:$0x102D0]  }
0xa4: {  	v32 =	vld [tilespmem:$0x12760]  }
0xa5: {  	v34 =	vld [tilespmem:$0x102E0]  }
0xa6: {  	v12 =	vld [tilespmem:$0x12770]  }
0xa7: {  	v0 =	vmov s31;
	v13 =	vld [tilespmem:$0x102F0]  }
0xa8: {  	v39 =	vld [tilespmem:$0x12780]  }
0xa9: {  	v41 =	vld [tilespmem:$0x10300]  }
0xaa: {  	v14 =	vld [tilespmem:$0x12790]  }
0xab: {  	v15 =	vld [tilespmem:$0x10310]  }
0xac: {  	v1 =	vld.idx.msk [tilespmem:v0+s15+$0x0], $0xffff  }
0xad: {  	v0 =	vld.idx.msk [tilespmem:v0+s17+$0x0], $0xffff  }
0xae: {  	v46 =	vld [tilespmem:$0x127A0]  }
0xaf: {  	v48 =	vld [tilespmem:$0x10320]  }
0xb0: {  	v16 =	vld [tilespmem:$0x127B0]  }
0xb1: {  	v17 =	vld [tilespmem:$0x10330]  }
0xb2: {  	v53 =	vld [tilespmem:$0x127C0];
	v2 =	vsub.s32 v2, v1;
	v3 =	vsub.s32 v3, v0;
	v4 =	vsub.s32 v4, v1  }
0xb3: {  	v55 =	vld [tilespmem:$0x10340];
	v5 =	vsub.s32 v5, v0;
	v21 =	vsub.s32 v6, v1;
	v23 =	vsub.s32 v7, v0  }
0xb4: {  	v18 =	vld [tilespmem:$0x127D0];
	v24 =	vsub.s32 v8, v1;
	v26 =	vsub.s32 v9, v0;
	v7 =	vsub.s32 v25, v1  }
0xb5: {  	v19 =	vld [tilespmem:$0x10350];
	v30 =	vsub.s32 v27, v0;
	v31 =	vsub.s32 v10, v1;
	v33 =	vsub.s32 v11, v0  }
0xb6: {  	v60 =	vld [tilespmem:$0x127E0];
	v9 =	vsub.s32 v32, v1;
	v37 =	vsub.s32 v34, v0;
	v38 =	vsub.s32 v12, v1  }
0xb7: {  	v40 =	vsub.s32 v13, v0;
	v11 =	vsub.s32 v39, v1;
	v44 =	vsub.s32 v41, v0  }
0xb8: {  	v45 =	vsub.s32 v14, v1;
	v47 =	vsub.s32 v15, v0;
	v13 =	vsub.s32 v46, v1  }
0xb9: {  	v51 =	vsub.s32 v48, v0;
	v52 =	vsub.s32 v16, v1;
	v54 =	vsub.s32 v17, v0  }
0xba: {  	v15 =	vsub.s32 v53, v1;
	v58 =	vsub.s32 v55, v0;
	v59 =	vsub.s32 v18, v1  }
0xbb: {  	v61 =	vsub.s32 v19, v0;
	v17 =	vsub.s32 v60, v1;
	v2 =	vadd.s32 $0x20, v2  }
0xbc: {  	v3 =	vadd.s32 $0x2, v3;
	v4 =	vadd.s32 $0x20, v4;
	v5 =	vadd.s32 $0x2, v5  }
0xbd: {  	v22 =	vadd.s32 $0x20, v21;
	v6 =	vadd.s32 $0x20, v24;
	v8 =	vadd.s32 $0x2, v26  }
0xbe: {  	v29 =	vadd.s32 $0x20, v7;
	v7 =	vadd.s32 $0x2, v30;
	v10 =	vadd.s32 $0x2, v33  }
0xbf: {  	v36 =	vadd.s32 $0x20, v9;
	v9 =	vadd.s32 $0x2, v37;
	v12 =	vadd.s32 $0x2, v40  }
0xc0: {  	v43 =	vadd.s32 $0x20, v11;
	v11 =	vadd.s32 $0x2, v44;
	v14 =	vadd.s32 $0x2, v47  }
0xc1: {  	v50 =	vadd.s32 $0x20, v13;
	v13 =	vadd.s32 $0x2, v51;
	v16 =	vadd.s32 $0x2, v54  }
0xc2: {  	v57 =	vadd.s32 $0x20, v15;
	v15 =	vadd.s32 $0x2, v58;
	v18 =	vadd.s32 $0x2, v61  }
0xc3: {  	vm0 =	vgt.s32 v2, $0x0;
	vm13 =	vgt.s32 v3, $0x0;
	vm14 =	vgt.s32 v4, $0x0  }
0xc4: {  	vm15 =	vgt.s32 v5, $0x0;
	vm4 =	vgt.s32 v22, $0x0;
	vm6 =	vgt.s32 v6, $0x0  }
0xc5: {  	vm7 =	vgt.s32 v8, $0x0;
	vm8 =	vgt.s32 v29, $0x0;
	vm9 =	vgt.s32 v7, $0x0  }
0xc6: {  	vm11 =	vgt.s32 v10, $0x0;
	vm12 =	vgt.s32 v36, $0x0;
	v2 =	vnsel vm0, $0x0, v2  }
0xc7: {  	v3 =	vnsel vm13, $0x0, v3;
	v4 =	vnsel vm14, $0x0, v4;
	v5 =	vnsel vm15, $0x0, v5  }
0xc8: {  	v6 =	vnsel vm6, $0x0, v6;
	v8 =	vnsel vm7, $0x0, v8;
	v7 =	vnsel vm9, $0x0, v7  }
0xc9: {  	v10 =	vnsel vm11, $0x0, v10;
	vm13 =	vgt.s32 v9, $0x0;
	vm15 =	vgt.s32 v12, $0x0  }
0xca: {  	vm7 =	vgt.s32 v14, $0x0;
	vm9 =	vgt.s32 v13, $0x0;
	vm11 =	vgt.s32 v16, $0x0  }
0xcb: {  	v2 =	vmin.u32 v2, $0x40;
	v4 =	vmin.u32 v4, $0x40;
	v3 =	vmin.u32 v3, $0x4  }
0xcc: {  	v62 =	vld [tilespmem:$0x10360];
	v20 =	vmin.u32 v5, $0x4;
	v5 =	vadd.s32 $0x2, v23;
	v6 =	vmin.u32 v6, $0x40  }
0xcd: {  	v28 =	vmin.u32 v8, $0x4;
	v8 =	vadd.s32 $0x20, v31;
	v7 =	vmin.u32 v7, $0x4  }
0xce: {  	v25 =	vld [tilespmem:$0x12800];
	v35 =	vmin.u32 v10, $0x4;
	v10 =	vadd.s32 $0x20, v38;
	v9 =	vnsel vm13, $0x0, v9  }
0xcf: {  	v27 =	vld [tilespmem:$0x10380];
	v12 =	vnsel vm15, $0x0, v12;
	v14 =	vnsel vm7, $0x0, v14;
	v13 =	vnsel vm9, $0x0, v13  }
0xd0: {  	v34 =	vld [tilespmem:$0x103A0];
	v16 =	vnsel vm11, $0x0, v16;
	vm13 =	vgt.s32 v15, $0x0;
	vm15 =	vgt.s32 v18, $0x0  }
0xd1: {  	v41 =	vld [tilespmem:$0x103C0];
	v23 =	vsub.s32 v62, v0;
	v2 =	vmul.u32 $0x5, v2;
	v4 =	vmul.u32 $0x5, v4  }
0xd2: {  	v48 =	vld [tilespmem:$0x103E0];
	vm5 =	vgt.s32 v5, $0x0;
	v6 =	vmul.u32 $0x5, v6;
	vm10 =	vgt.s32 v8, $0x0  }
0xd3: {  	v55 =	vld [tilespmem:$0x10400];
	vm14 =	vgt.s32 v10, $0x0;
	v9 =	vmin.u32 v9, $0x4;
	v42 =	vmin.u32 v12, $0x4  }
0xd4: {  	v12 =	vadd.s32 $0x20, v45;
	v49 =	vmin.u32 v14, $0x4;
	v14 =	vadd.s32 $0x20, v52  }
0xd5: {  	v13 =	vmin.u32 v13, $0x4;
	v56 =	vmin.u32 v16, $0x4;
	v16 =	vadd.s32 $0x20, v59  }
0xd6: {  	v21 =	vld [tilespmem:$0x10370];
	v15 =	vnsel vm13, $0x0, v15;
	v18 =	vnsel vm15, $0x0, v18;
	v19 =	vsub.s32 v25, v1  }
0xd7: {  	v32 =	vld [tilespmem:$0x12820];
	v30 =	vsub.s32 v27, v0;
	v37 =	vsub.s32 v34, v0;
	v44 =	vsub.s32 v41, v0  }
0xd8: {  	v51 =	vsub.s32 v48, v0;
	v58 =	vsub.s32 v55, v0;
	v5 =	vnsel vm5, $0x0, v5  }
0xd9: {  	v8 =	vnsel vm10, $0x0, v8;
	v10 =	vnsel vm14, $0x0, v10;
	vm5 =	vgt.s32 v11, $0x0  }
0xda: {  	vm6 =	vgt.s32 v12, $0x0;
	vm10 =	vgt.s32 v14, $0x0;
	vm14 =	vgt.s32 v16, $0x0  }
0xdb: {  	v15 =	vmin.u32 v15, $0x4;
	v63 =	vmin.u32 v18, $0x4;
	v26 =	vsub.s32 v21, v0  }
0xdc: {  	v21 =	vsub.s32 v32, v1;
	v3 =	vadd.s32 v3, v2;
	v2 =	vadd.s32 v20, v4  }
0xdd: {  	v46 =	vld [tilespmem:$0x12860];
	v4 =	vnsel vm4, $0x0, v22;
	v5 =	vmin.u32 v5, $0x4;
	v8 =	vmin.u32 v8, $0x40  }
0xde: {  	v53 =	vld [tilespmem:$0x12880];
	v10 =	vmin.u32 v10, $0x40;
	vm4 =	vgt.s32 v43, $0x0;
	v11 =	vnsel vm5, $0x0, v11  }
0xdf: {  	v62 =	vld [tilespmem:$0x128A0];
	v12 =	vnsel vm6, $0x0, v12;
	v14 =	vnsel vm10, $0x0, v14;
	v16 =	vnsel vm14, $0x0, v16  }
0xe0: {  	v25 =	vld [tilespmem:$0x103B0];
	v22 =	vadd.s32 $0x20, v17;
	v17 =	vadd.s32 $0x2, v23;
	v4 =	vmin.u32 v4, $0x40  }
0xe1: {  	v27 =	vld [tilespmem:$0x103D0];
	v8 =	vmul.u32 $0x5, v8;
	v10 =	vmul.u32 $0x5, v10;
	v12 =	vmin.u32 v12, $0x40  }
0xe2: {  	v48 =	vld [tilespmem:$0x10450];
	v11 =	vmin.u32 v11, $0x4;
	v14 =	vmin.u32 v14, $0x40;
	v16 =	vmin.u32 v16, $0x40  }
0xe3: {  	vm5 =	vgt.s32 v17, $0x0;
	v4 =	vmul.u32 $0x5, v4;
	v12 =	vmul.u32 $0x5, v12  }
0xe4: {  	v20 =	vld [tilespmem:$0x127F0];
	v14 =	vmul.u32 $0x5, v14;
	v16 =	vmul.u32 $0x5, v16;
	v17 =	vnsel vm5, $0x0, v17  }
0xe5: {  	v23 =	vld [tilespmem:$0x10390];
	v41 =	vsub.s32 v62, v1;
	v17 =	vmin.u32 v17, $0x4;
	v40 =	vsub.s32 v25, v0  }
0xe6: {  	v39 =	vld [tilespmem:$0x12840];
	v47 =	vsub.s32 v27, v0;
	v25 =	vsub.s32 v46, v1;
	v27 =	vsub.s32 v53, v1  }
0xe7: {  	v55 =	vsub.s32 v48, v0;
	v5 =	vadd.s32 v5, v4;
	v4 =	vadd.s32 v28, v6  }
0xe8: {  	v6 =	vnsel vm8, $0x0, v29;
	vm8 =	vgt.s32 v50, $0x0;
	v29 =	vadd.s32 $0x20, v19  }
0xe9: {  	v19 =	vadd.s32 $0x2, v30;
	v6 =	vmin.u32 v6, $0x40;
	v24 =	vsub.s32 v20, v1  }
0xea: {  	v20 =	vadd.s32 $0x2, v26;
	vm9 =	vgt.s32 v19, $0x0;
	v33 =	vsub.s32 v23, v0  }
0xeb: {  	v23 =	vsub.s32 v39, v1;
	v6 =	vmul.u32 $0x5, v6;
	v18 =	vadd.s32 $0x20, v24  }
0xec: {  	v30 =	vld [tilespmem:$0x12890];
	vm7 =	vgt.s32 v20, $0x0;
	v19 =	vnsel vm9, $0x0, v19;
	vm6 =	vgt.s32 v18, $0x0  }
0xed: {  	v26 =	vld [tilespmem:$0x12850];
	v20 =	vnsel vm7, $0x0, v20;
	v19 =	vmin.u32 v19, $0x4;
	v7 =	vadd.s32 v7, v6  }
0xee: {  	v39 =	vld [tilespmem:$0x10430];
	v6 =	vadd.s32 v35, v8;
	v8 =	vnsel vm12, $0x0, v36;
	vm12 =	vgt.s32 v57, $0x0  }
0xef: {  	v24 =	vld [tilespmem:$0x12830];
	v18 =	vnsel vm6, $0x0, v18;
	v28 =	vmin.u32 v20, $0x4;
	v36 =	vadd.s32 $0x20, v21  }
0xf0: {  	v21 =	vadd.s32 $0x2, v37;
	v8 =	vmin.u32 v8, $0x40;
	v18 =	vmin.u32 v18, $0x40  }
0xf1: {  	vm13 =	vgt.s32 v21, $0x0;
	v59 =	vsub.s32 v30, v1;
	v8 =	vmul.u32 $0x5, v8  }
0xf2: {  	v18 =	vmul.u32 $0x5, v18;
	v21 =	vnsel vm13, $0x0, v21;
	v45 =	vsub.s32 v26, v1  }
0xf3: {  	[tilespmem:$0x104C0] =	vst v7;
	v26 =	vadd.s32 $0x2, v47;
	v61 =	vadd.s32 $0x20, v59;
	v7 =	vsub.s32 v39, v0  }
0xf4: {  	v38 =	vsub.s32 v24, v1;
	v24 =	vadd.s32 $0x2, v40;
	v21 =	vmin.u32 v21, $0x4  }
0xf5: {  	vm7 =	vgt.s32 v26, $0x0;
	v7 =	vadd.s32 $0x2, v7;
	v9 =	vadd.s32 v9, v8  }
0xf6: {  	v8 =	vadd.s32 v42, v10;
	v10 =	vnsel vm4, $0x0, v43;
	vm4 =	vgt.s32 v22, $0x0  }
0xf7: {  	vm15 =	vgt.s32 v24, $0x0;
	v43 =	vadd.s32 $0x20, v23;
	v23 =	vadd.s32 $0x2, v44  }
0xf8: {  	v47 =	vld [tilespmem:$0x128D0];
	v26 =	vnsel vm7, $0x0, v26;
	vm7 =	vgt.s32 v7, $0x0;
	v10 =	vmin.u32 v10, $0x40  }
0xf9: {  	v24 =	vnsel vm15, $0x0, v24;
	vm5 =	vgt.s32 v23, $0x0;
	v10 =	vmul.u32 $0x5, v10  }
0xfa: {  	v7 =	vnsel vm7, $0x0, v7;
	v42 =	vmin.u32 v24, $0x4;
	v24 =	vadd.s32 $0x20, v45  }
0xfb: {  	v11 =	vadd.s32 v11, v10;
	v10 =	vadd.s32 v49, v12;
	v12 =	vnsel vm8, $0x0, v50  }
0xfc: {  	v23 =	vnsel vm5, $0x0, v23;
	vm6 =	vgt.s32 v24, $0x0;
	v12 =	vmin.u32 v12, $0x40  }
0xfd: {  	v23 =	vmin.u32 v23, $0x4;
	v53 =	vsub.s32 v47, v1;
	v12 =	vmul.u32 $0x5, v12  }
0xfe: {  	vm8 =	vgt.s32 v29, $0x0;
	v24 =	vnsel vm6, $0x0, v24;
	v49 =	vmin.u32 v26, $0x4  }
0xff: {  	v13 =	vadd.s32 v13, v12;
	v12 =	vadd.s32 v56, v14;
	v14 =	vnsel vm12, $0x0, v57  }
0x100: {  	v50 =	vadd.s32 $0x20, v25;
	v25 =	vadd.s32 $0x2, v51;
	v14 =	vmin.u32 v14, $0x40  }
0x101: {  	[tilespmem:$0x104F0] =	vst v8;
	v8 =	vadd.s32 $0x20, v53;
	v24 =	vmin.u32 v24, $0x40;
	v14 =	vmul.u32 $0x5, v14  }
0x102: {  	vm9 =	vgt.s32 v25, $0x0;
	[tilespmem:$0x10510] =	vst v10;
	v10 =	vadd.s32 $0x2, v55;
	v24 =	vmul.u32 $0x5, v24  }
0x103: {  	v15 =	vadd.s32 v15, v14;
	v14 =	vadd.s32 v63, v16;
	v16 =	vnsel vm4, $0x0, v22;
	v22 =	vld [tilespmem:$0x12810]  }
0x104: {  	v57 =	vadd.s32 $0x20, v27;
	v27 =	vadd.s32 $0x2, v58;
	v16 =	vmin.u32 v16, $0x40  }
0x105: {  	v25 =	vnsel vm9, $0x0, v25;
	vm13 =	vgt.s32 v27, $0x0;
	v16 =	vmul.u32 $0x5, v16  }
0x106: {  	v25 =	vmin.u32 v25, $0x4;
	vm12 =	vgt.s32 v36, $0x0;
	v63 =	vnsel vm13, $0x0, v27  }
0x107: {  	[tilespmem:$0x10490] =	vst v2;
	vm4 =	vgt.s32 v43, $0x0;
	v2 =	vmin.u32 v63, $0x4;
	v17 =	vadd.s32 v17, v16  }
0x108: {  	v16 =	vadd.s32 v28, v18;
	v18 =	vnsel vm8, $0x0, v29;
	v28 =	vld [tilespmem:$0x12870];
	v31 =	vsub.s32 v22, v1  }
0x109: {  	v29 =	vld [tilespmem:$0x103F0];
	v18 =	vmin.u32 v18, $0x40;
	v22 =	vadd.s32 $0x2, v33;
	v20 =	vadd.s32 $0x20, v31  }
0x10a: {  	v18 =	vmul.u32 $0x5, v18;
	vm11 =	vgt.s32 v22, $0x0;
	vm10 =	vgt.s32 v20, $0x0  }
0x10b: {  	v46 =	vld [tilespmem:$0x10440];
	vm8 =	vgt.s32 v50, $0x0;
	v22 =	vnsel vm11, $0x0, v22;
	v20 =	vnsel vm10, $0x0, v20  }
0x10c: {  	v31 =	vld [tilespmem:$0x10410];
	v19 =	vadd.s32 v19, v18;
	v35 =	vmin.u32 v22, $0x4;
	v22 =	vadd.s32 $0x20, v38  }
0x10d: {  	v20 =	vmin.u32 v20, $0x40;
	vm14 =	vgt.s32 v22, $0x0;
	v52 =	vsub.s32 v28, v1  }
0x10e: {  	v54 =	vsub.s32 v29, v0;
	v20 =	vmul.u32 $0x5, v20;
	v22 =	vnsel vm14, $0x0, v22  }
0x10f: {  	v26 =	vadd.s32 $0x20, v52;
	v28 =	vadd.s32 $0x2, v54;
	vm14 =	vgt.s32 v61, $0x0  }
0x110: {  	v52 =	vsub.s32 v46, v0;
	v22 =	vmin.u32 v22, $0x40;
	vm10 =	vgt.s32 v26, $0x0  }
0x111: {  	vm11 =	vgt.s32 v28, $0x0;
	v32 =	vsub.s32 v31, v0;
	v34 =	vnsel vm14, $0x0, v61  }
0x112: {  	v18 =	vadd.s32 v35, v20;
	v20 =	vnsel vm12, $0x0, v36;
	v22 =	vmul.u32 $0x5, v22  }
0x113: {  	v26 =	vnsel vm10, $0x0, v26;
	v28 =	vnsel vm11, $0x0, v28;
	vm12 =	vgt.s32 v57, $0x0  }
0x114: {  	v35 =	vadd.s32 $0x2, v32;
	v37 =	vmin.u32 v34, $0x40;
	vm10 =	vgt.s32 v8, $0x0  }
0x115: {  	vm11 =	vgt.s32 v10, $0x0;
	v20 =	vmin.u32 v20, $0x40;
	v26 =	vmin.u32 v26, $0x40  }
0x116: {  	v54 =	vld [tilespmem:$0x128E0];
	v56 =	vmin.u32 v28, $0x4;
	v60 =	vnsel vm12, $0x0, v57;
	vm15 =	vgt.s32 v35, $0x0  }
0x117: {  	[tilespmem:$0x104B0] =	vst v4;
	v33 =	vld [tilespmem:$0x10420];
	v4 =	vmul.u32 $0x5, v37;
	v8 =	vnsel vm10, $0x0, v8;
	v10 =	vnsel vm11, $0x0, v10  }
0x118: {  	[tilespmem:$0x10480] =	vst v3;
	v20 =	vmul.u32 $0x5, v20;
	v26 =	vmul.u32 $0x5, v26;
	v3 =	vmin.u32 v60, $0x40  }
0x119: {  	v38 =	vnsel vm15, $0x0, v35;
	v8 =	vmin.u32 v8, $0x40;
	v59 =	vmin.u32 v10, $0x4  }
0x11a: {  	[tilespmem:$0x104A0] =	vst v5;
	v36 =	vld [tilespmem:$0x128B0];
	v3 =	vmul.u32 $0x5, v3;
	v40 =	vmin.u32 v38, $0x4;
	v8 =	vmul.u32 $0x5, v8  }
0x11b: {  	[tilespmem:$0x104E0] =	vst v9;
	v9 =	vsub.s32 v54, v1;
	v21 =	vadd.s32 v21, v20;
	v20 =	vadd.s32 v42, v22  }
0x11c: {  	[tilespmem:$0x104D0] =	vst v6;
	v22 =	vnsel vm4, $0x0, v43;
	v42 =	vadd.s32 $0x20, v41;
	v43 =	vsub.s32 v33, v0  }
0x11d: {  	[tilespmem:$0x10500] =	vst v11;
	v60 =	vadd.s32 $0x20, v9;
	v22 =	vmin.u32 v22, $0x40;
	v2 =	vadd.s32 v2, v3  }
0x11e: {  	[tilespmem:$0x10520] =	vst v13;
	v3 =	vadd.s32 v40, v4;
	vm4 =	vgt.s32 v42, $0x0;
	v5 =	vadd.s32 $0x2, v43  }
0x11f: {  	[tilespmem:$0x10530] =	vst v12;
	v44 =	vsub.s32 v36, v1;
	vm12 =	vgt.s32 v60, $0x0;
	v22 =	vmul.u32 $0x5, v22  }
0x120: {  	v45 =	vld [tilespmem:$0x128C0];
	[tilespmem:$0x10540] =	vst v15;
	v4 =	vnsel vm4, $0x0, v42;
	vm5 =	vgt.s32 v5, $0x0;
	v6 =	vadd.s32 $0x20, v44  }
0x121: {  	[tilespmem:$0x10550] =	vst v14;
	v57 =	vld [tilespmem:$0x128F0];
	v62 =	vnsel vm12, $0x0, v60;
	v5 =	vnsel vm5, $0x0, v5;
	vm6 =	vgt.s32 v6, $0x0  }
0x122: {  	[tilespmem:$0x10600] =	vst v2;
	v4 =	vmin.u32 v4, $0x40;
	v2 =	vmin.u32 v62, $0x40;
	v23 =	vadd.s32 v23, v22  }
0x123: {  	[tilespmem:$0x10560] =	vst v17;
	v22 =	vadd.s32 v49, v24;
	v24 =	vnsel vm8, $0x0, v50;
	v6 =	vnsel vm6, $0x0, v6  }
0x124: {  	[tilespmem:$0x10570] =	vst v16;
	v4 =	vmul.u32 $0x5, v4;
	v5 =	vmin.u32 v5, $0x4;
	v24 =	vmin.u32 v24, $0x40  }
0x125: {  	[tilespmem:$0x10580] =	vst v19;
	v49 =	vmin.u32 v7, $0x4;
	v50 =	vsub.s32 v45, v1;
	v24 =	vmul.u32 $0x5, v24  }
0x126: {  	[tilespmem:$0x10590] =	vst v18;
	v7 =	vadd.s32 $0x2, v52;
	v1 =	vsub.s32 v57, v1;
	v2 =	vmul.u32 $0x5, v2  }
0x127: {  	[tilespmem:$0x105A0] =	vst v21;
	v6 =	vmin.u32 v6, $0x40;
	v24 =	vadd.s32 v25, v24;
	v25 =	vadd.s32 v56, v26;
	v56 =	vld [tilespmem:$0x10460]  }
0x128: {  	v58 =	vld [tilespmem:$0x10470];
	[tilespmem:$0x105B0] =	vst v20;
	v51 =	vadd.s32 $0x20, v50;
	vm9 =	vgt.s32 v7, $0x0;
	v1 =	vadd.s32 $0x20, v1  }
0x129: {  	[tilespmem:$0x10610] =	vst v3;
	v6 =	vmul.u32 $0x5, v6;
	v4 =	vadd.s32 v5, v4;
	v7 =	vnsel vm9, $0x0, v7  }
0x12a: {  	[tilespmem:$0x105C0] =	vst v23;
	vm8 =	vgt.s32 v51, $0x0;
	vm14 =	vgt.s32 v1, $0x0;
	v7 =	vmin.u32 v7, $0x4  }
0x12b: {  	[tilespmem:$0x105D0] =	vst v22;
	v1 =	vnsel vm14, $0x0, v1;
	v5 =	vadd.s32 v49, v6;
	v6 =	vnsel vm8, $0x0, v51  }
0x12c: {  	[tilespmem:$0x10620] =	vst v4;
	v1 =	vmin.u32 v1, $0x40;
	v6 =	vmin.u32 v6, $0x40;
	v61 =	vsub.s32 v56, v0  }
0x12d: {  	[tilespmem:$0x105E0] =	vst v24;
	v6 =	vmul.u32 $0x5, v6;
	v0 =	vsub.s32 v58, v0;
	v9 =	vadd.s32 $0x2, v61  }
0x12e: {  	[tilespmem:$0x105F0] =	vst v25;
	v1 =	vmul.u32 $0x5, v1;
	v0 =	vadd.s32 $0x2, v0;
	vm13 =	vgt.s32 v9, $0x0  }
0x12f: {  	[tilespmem:$0x10630] =	vst v5;
	v6 =	vadd.s32 v7, v6;
	vm15 =	vgt.s32 v0, $0x0;
	v63 =	vnsel vm13, $0x0, v9  }
0x130: {  	v7 =	vadd.s32 v59, v8;
	[tilespmem:$0x10640] =	vst v6;
	v0 =	vnsel vm15, $0x0, v0;
	v3 =	vmin.u32 v63, $0x4  }
0x131: {  	[tilespmem:$0x10650] =	vst v7;
	v0 =	vmin.u32 v0, $0x4;
	v2 =	vadd.s32 v3, v2  }
0x132: {  	p0 =	seq.s32 s30, $0x0;
	v0 =	vadd.s32 v0, v1;
	[tilespmem:$0x10660] =	vst v2  }
0x133: {  	s0 =	simm.s32 @p0 $0x80;
	s1 =	simm.s32 @p0 $0x10480;
	s2 =	simm.s32 @p0 $0x0;
	[tilespmem:$0x10670] =	vst v0  }
0x134: {  	[tilespmem:s2], [sflag:$0x1] =	stream.indirect.gather @p0 [spmem:s3], $0x80, s1, s0, $0xb8;
	[tilespmem:$0x13F80] =	vst v63  }
0x135: {  	s1 =	simm.s32 @p0 $0x10500;
	s2 =	simm.s32 @p0 $0x4000  }
0x136: {  	[tilespmem:s2], [sflag:$0x1] =	stream.indirect.gather @p0 [spmem:s3], $0x80, s1, s0, $0xb8;
	[tilespmem:$0x13F80] =	vst v63  }
0x137: {  	s0 =	simm.s32 @!p0 $0x2  }
0x138: {  	_ =	swait.ge @!p0 [sflag:s0], $0x8000  }
0x139: {  	s1 =	simm.s32 @!p0 $0x10480;
	[sflag:s0] =	ssyncset.done @!p0 $0x0  }
0x13a: {  	s2 =	simm.s32 @!p0 $0x0;
	[sflag:s0] =	ssyncadd.s32 @!p0 $0xFFFF8000;
	s0 =	simm.s32 @!p0 $0x80  }
0x13b: {  	[tilespmem:s2], [sflag:$0x1] =	stream.indirect.gather @!p0 [spmem:s3], $0x80, s1, s0, $0xb8;
	[tilespmem:$0x13F80] =	vst v63  }
0x13c: {  	s1 =	simm.s32 @!p0 $0x10500;
	s2 =	simm.s32 @!p0 $0x4000  }
0x13d: {  	[tilespmem:s2], [sflag:$0x1] =	stream.indirect.gather @!p0 [spmem:s3], $0x80, s1, s0, $0xb8;
	[tilespmem:$0x13F80] =	vst v63  }
0x13e: {  	s0 =	simm.s32 @!p0 $0x3  }
0x13f: {  	_ =	swait.ge @!p0 [sflag:s0], $0x8000  }
0x140: {  	[sflag:s0] =	ssyncset.done @!p0 $0x0  }
0x141: {  	[sflag:s0] =	ssyncadd.s32 @!p0 $0xFFFF8000  }
0x142: {  	[tilespmem:s22], [sflag:$0x1] =	stream.indirect.gather [spmem:s3], $0x80, s21, s13, $0xb8;
	[tilespmem:$0x13F80] =	vst v63  }
0x143: {  	_ = 	snop  }
0x144: {  	[tilespmem:s24], [sflag:$0x1] =	stream.indirect.gather [spmem:s3], $0x80, s23, s13, $0xb8;
	[tilespmem:$0x13F80] =	vst v63  }
0x145: {  	_ =	swait.ge [sflag:s25], $0x4000  }
0x146: {  	[sflag:s25] =	ssyncset.done $0x0  }
0x147: {  	[sflag:s25] =	ssyncadd.s32 $0xFFFFC000  }
0x148: {  	_ =	swait.ge [sflag:s25], $0x4000  }
0x149: {  	[sflag:s25] =	ssyncset.done $0x0  }
0x14a: {  	s18 =	sadd.s32 s30, s11;
	[sflag:s25] =	ssyncadd.s32 $0xFFFFC000  }
0x14b: {  	[hbm4b:s18+s4] =	stream.linear.scatter [tilespmem:s4], [sflag:$0x2], $0x8000, $0x38;
	[tilespmem:$0x13F80] =	vst v63  }
0x14c: {  	s30 =	sadd.s32 $0x2000, s30;
	_ =	swait.ge [sflag:s25], $0x4000  }
0x14d: {  	p0 =	sne.s32 s30, $0x40000;
	[sflag:s25] =	ssyncset.done $0x0  }
.Ltmp1:
0x14e: {  	[sflag:s25] =	ssyncadd.s32 $0xFFFFC000;
	(pc) =	sbr.rel @p0 .LBB2_4-.Ltmp1, $4  }
0x14f: {  	_ =	swait.ge [sflag:s25], $0x4000  }
0x150: {  	[sflag:s25] =	ssyncset.done $0x0  }
0x151: {  	s31 =	sadd.s32 $0x1, s31;
	s0 =	sadd.s32 $0x1000, s18;
	[sflag:s25] =	ssyncadd.s32 $0xFFFFC000  }
0x152: {  	[hbm4b:s0+s4] =	stream.linear.scatter [tilespmem:s22], [sflag:$0x3], $0x8000, $0x38;
	[tilespmem:$0x13F80] =	vst v63  }
0x153: {  	s29 =	sadd.s32 $0x1, s29  }
0x154: {  	_ =	swait.ge [sflag:s26], $0x8000;
	p0 =	sne.s32 s29, s10  }
.Ltmp2:
0x155: {  	[sflag:s26] =	ssyncset.done $0x0;
	(pc) =	sbr.rel @p0 .LBB2_1-.Ltmp2, $4  }
0x156: {  	[sflag:s26] =	ssyncadd.s32 $0xFFFF8000  }
0x157: {  	_ =	swait.ge [sflag:s28], $0x8000  }
0x158: {  	[sflag:s28] =	ssyncset.done $0x0  }
0x159: {  	[sflag:s28] =	ssyncadd.s32 $0xFFFF8000  }
0x15a: {  	_ =	sfence.sel $0x180000  }
0x15b: {  	[bflag:$0x0] =	sbarrier.arrive $0xFFFF  }
0x15c: {  	_ =	strace $0x90000047  }
0x15d: {  	s0 =	stileid.u32;
	[bflag:$0x2] =	sbarrier.arrive $0xFFFF  }
0x15e: {  	p0 =	sne.s32 s0, $0x0;
	s0 =	rddreg [dreg:$0x6]  }
0x15f: {  	s0 =	sadd.s32 @!p0 $0x100000, s0  }
0x160: {  	[sflag:s0] =	ssyncadd.tile.s32 @!p0 $0x1;
	_ =	shalt  }
.Lfunc_end2:
_tile_overlayer_lowered:
.L_overlay_start_2:
0x161: {  	(tag) =	ssettag $0x2  }
0x162: {  	s0 =	rddreg [dreg:$0x0];
	s2 =	stileid.u32  }
0x163: {  	s1 =	rddreg [dreg:$0x1];
	p0 =	sne.s32 s2, $0x0  }
0x164: {  	s3 =	rddreg [dreg:$0x2];
	[bflag:$0x3] =	sbarrier.arrive $0xFFFF;
	s2 =	simm.s32 @!p0 $0x1C04  }
0x165: {  	[timem:s3], [sflag:s2] =	dma.local @!p0 [hbm:s0], s1  }
0x166: {  	s0 =	simm.s32 @!p0 $0x4  }
0x167: {  	_ =	swait.ge @!p0 [sflag:s0], s1  }
0x168: {  	s1 =	ssub.s32 @!p0 $0x0, s1;
	[sflag:s0] =	ssyncset.done @!p0 $0x0  }
0x169: {  	[sflag:s0] =	ssyncadd.s32 @!p0 s1  }
0x16a: {  	[bflag:$0x3] =	sbarrier.arrive $0xFFFF  }
0x16b: {  	_ =	shalt  }

</sc_bundles>
